<compile_context>
chip_gen: v7x
topology: tpu7x:2x2x1
jax: 0.10.2.dev20260603
libtpu: 0.0.44.dev20260713+nightly
codegen_flags: <defaults>
</compile_context>

<pallas_src>
import functools

import jax
import jax.numpy as jnp
from jax import lax
from jax.experimental import pallas as pl
from jax.experimental.pallas import tpu as pltpu
from jax.experimental.pallas import tpu_sc as plsc

ENT_DIM = 64
NB = 128


def _sc_gather(table2, idx):
    n = idx.shape[0]
    NW = 32
    CHUNK = n // NW
    mesh = plsc.VectorSubcoreMesh(core_axis_name="c", subcore_axis_name="s")

    @functools.partial(
        pl.kernel,
        mesh=mesh,
        out_type=jax.ShapeDtypeStruct((n, 2 * ENT_DIM), jnp.float32),
        scratch_types=[
            pltpu.VMEM((CHUNK,), jnp.int32),
            pltpu.VMEM((CHUNK, 2 * ENT_DIM), jnp.float32),
            pltpu.SemaphoreType.DMA,
        ],
    )
    def k(tab_hbm, idx_hbm, out_hbm, idx_v, rows_v, sem):
        wid = lax.axis_index("s") * 2 + lax.axis_index("c")
        base = wid * CHUNK
        pltpu.sync_copy(idx_hbm.at[pl.ds(base, CHUNK)], idx_v)
        pltpu.async_copy(tab_hbm.at[idx_v], rows_v, sem).wait()
        pltpu.sync_copy(rows_v, out_hbm.at[pl.ds(base, CHUNK)])

    return k(table2, idx)


def _sel_half(x2, par):
    return x2[:, :ENT_DIM] * (1.0 - par) + x2[:, ENT_DIM:] * par


def _tc_body(rpos_s, rneg_s, proj_ref,
             hp_ref, tp_ref, hn_ref, tn_ref, rp_ref, rn_ref, par_ref,
             ph_ref, pt_ref, nh_ref, nt_ref, pos_ref, neg_ref,
             pp_scr, pn_scr):
    i = pl.program_id(0)

    def gather_body(n, carry):
        pp_scr[n] = proj_ref[rpos_s[i * NB + n]]
        pn_scr[n] = proj_ref[rneg_s[i * NB + n]]
        return carry

    lax.fori_loop(0, NB, gather_body, 0)

    par = par_ref[0]
    lane_lt = (lax.broadcasted_iota(jnp.int32, (1, 2 * ENT_DIM), 1)
               < ENT_DIM).astype(jnp.float32)

    def _sel_both(x2, p):
        rot = jnp.roll(x2, ENT_DIM, axis=1)
        a = lane_lt * (1.0 - p) + (1.0 - lane_lt) * p
        return x2 * a + rot * (1.0 - a)

    hp = _sel_both(hp_ref[...], par[0][:, None])
    tp = _sel_both(tp_ref[...], par[1][:, None])
    hn = _sel_both(hn_ref[...], par[2][:, None])
    tn = _sel_both(tn_ref[...], par[3][:, None])
    rp = _sel_half(rp_ref[...], par[4][:, None])
    rn = _sel_half(rn_ref[...], par[5][:, None])

    def matvec(p, e2):
        prod = p * e2[:, None, :]
        lo = jnp.sum(prod[:, :, :ENT_DIM], axis=2)
        hi = jnp.sum(prod[:, :, ENT_DIM:], axis=2)
        return jnp.stack([lo, hi], axis=2).reshape(NB, ENT_DIM)

    ppv = pp_scr[...]
    pnv = pn_scr[...]
    ph = matvec(ppv, hp)
    pt = matvec(ppv, tp)
    nh = matvec(pnv, hn)
    nt = matvec(pnv, tn)
    ph_ref[...] = ph
    pt_ref[...] = pt
    nh_ref[...] = nh
    nt_ref[...] = nt
    pos_ref[...] = jnp.sum(jnp.abs(ph + rp - pt), axis=1)
    neg_ref[...] = jnp.sum(jnp.abs(nh + rn - nt), axis=1)


def _tc_compute(pos_r, neg_r, proj3, ent_g, rel_g, par6):
    b = pos_r.shape[0]
    grid = (b // NB,)
    nblk = b // NB
    ent_specs = [
        pl.BlockSpec((NB, 2 * ENT_DIM),
                     functools.partial(lambda q, i, *_: (q * nblk + i, 0), q))
        for q in range(4)
    ]
    rel_specs = [
        pl.BlockSpec((NB, 2 * ENT_DIM),
                     functools.partial(lambda h, i, *_: (h * nblk + i, 0), h))
        for h in range(2)
    ]
    vec_spec = pl.BlockSpec((NB, ENT_DIM), lambda i, *_: (i, 0))
    out_shapes = (
        jax.ShapeDtypeStruct((b, ENT_DIM), jnp.float32),
        jax.ShapeDtypeStruct((b, ENT_DIM), jnp.float32),
        jax.ShapeDtypeStruct((b, ENT_DIM), jnp.float32),
        jax.ShapeDtypeStruct((b, ENT_DIM), jnp.float32),
        jax.ShapeDtypeStruct((b,), jnp.float32),
        jax.ShapeDtypeStruct((b,), jnp.float32),
    )
    return pl.pallas_call(
        _tc_body,
        grid_spec=pltpu.PrefetchScalarGridSpec(
            num_scalar_prefetch=2,
            grid=grid,
            in_specs=[
                pl.BlockSpec((proj3.shape[0], ENT_DIM // 2, 2 * ENT_DIM),
                             lambda i, *_: (0, 0, 0)),
                *ent_specs,
                *rel_specs,
                pl.BlockSpec((1, 6, NB), lambda i, *_: (i, 0, 0)),
            ],
            out_specs=[
                vec_spec, vec_spec, vec_spec, vec_spec,
                pl.BlockSpec((NB,), lambda i, *_: (i,)),
                pl.BlockSpec((NB,), lambda i, *_: (i,)),
            ],
            scratch_shapes=[
                pltpu.VMEM((NB, ENT_DIM // 2, 2 * ENT_DIM), jnp.float32),
                pltpu.VMEM((NB, ENT_DIM // 2, 2 * ENT_DIM), jnp.float32),
            ],
        ),
        out_shape=out_shapes,
        compiler_params=pltpu.CompilerParams(
            dimension_semantics=("parallel",)),
    )(pos_r, neg_r, proj3, ent_g, ent_g, ent_g, ent_g, rel_g, rel_g, par6)


def kernel(pos_h, pos_t, pos_r, neg_h, neg_t, neg_r, ent_w, rel_w, proj_w):
    b = pos_h.shape[0]
    ent_idx = jnp.concatenate(
        [pos_h, pos_t, neg_h, neg_t]).astype(jnp.int32)
    rel_idx = jnp.concatenate([pos_r, neg_r]).astype(jnp.int32)
    ent2 = ent_w.reshape(ent_w.shape[0] // 2, 2 * ENT_DIM)
    rel2 = rel_w.reshape(rel_w.shape[0] // 2, 2 * ENT_DIM)
    ent_g = _sc_gather(ent2, ent_idx // 2)
    rel_g = _sc_gather(rel2, rel_idx // 2)
    all_idx = jnp.concatenate([ent_idx, rel_idx])
    par6 = (all_idx & 1).astype(jnp.float32).reshape(
        6, b // NB, NB).transpose(1, 0, 2)
    proj3 = proj_w.reshape(proj_w.shape[0], ENT_DIM // 2, 2 * ENT_DIM)
    ph, pt, nh, nt, pos, neg = _tc_compute(
        pos_r.astype(jnp.int32), neg_r.astype(jnp.int32),
        proj3, ent_g, rel_g, par6)
    return (pos, neg, ph, pt, nh, nt)

# --- scband reference (transcript-rebuilt; emitter-appended) ---
"""Pipeline reference for scband-trans-rmodel-11201274708271 (READ-ONLY COPY).

The authoritative reference and input builder live on the scoring server;
editing this copy changes nothing except your own understanding.
"""

import jax, jax.numpy as jnp
import numpy as np

ENT_TOTAL = 1000000
REL_TOTAL = 1000
ENT_DIM = 64
REL_DIM = 64
B = 4096


def projection_transR(original, proj_matrix):
    # original: [B, ENT_DIM]; proj_matrix: [B, REL_DIM*ENT_DIM]
    proj_m = proj_matrix.reshape(-1, REL_DIM, ENT_DIM)
    return jnp.einsum('bre,be->br', proj_m, original)


def setup_inputs(seed: int = 0):
    key = jax.random.key(seed)
    ks = jax.random.split(key, 9)
    ent_w = jax.random.normal(ks[0], (ENT_TOTAL, ENT_DIM), dtype=jnp.float32) * (1.0 / np.sqrt(ENT_DIM))
    ent_w = ent_w / (jnp.linalg.norm(ent_w, axis=1, keepdims=True) + 1e-12)
    rel_w = jax.random.normal(ks[1], (REL_TOTAL, REL_DIM), dtype=jnp.float32) * (1.0 / np.sqrt(REL_DIM))
    rel_w = rel_w / (jnp.linalg.norm(rel_w, axis=1, keepdims=True) + 1e-12)
    proj_w = jax.random.normal(ks[2], (REL_TOTAL, REL_DIM * ENT_DIM), dtype=jnp.float32) * 0.02
    pos_h = jax.random.randint(ks[3], (B,), 0, ENT_TOTAL, dtype=jnp.int64) if jax.config.jax_enable_x64 else jax.random.randint(ks[3], (B,), 0, ENT_TOTAL).astype(jnp.int32)
    pos_t = jax.random.randint(ks[4], (B,), 0, ENT_TOTAL).astype(pos_h.dtype)
    pos_r = jax.random.randint(ks[5], (B,), 0, REL_TOTAL).astype(pos_h.dtype)
    neg_h = jax.random.randint(ks[6], (B,), 0, ENT_TOTAL).astype(pos_h.dtype)
    neg_t = jax.random.randint(ks[7], (B,), 0, ENT_TOTAL).astype(pos_h.dtype)
    neg_r = jax.random.randint(ks[8], (B,), 0, REL_TOTAL).astype(pos_h.dtype)
    return {"pos_h": pos_h, "pos_t": pos_t, "pos_r": pos_r, "neg_h": neg_h, "neg_t": neg_t, "neg_r": neg_r, "ent_w": ent_w, "rel_w": rel_w, "proj_w": proj_w}


def reference(pos_h, pos_t, pos_r, neg_h, neg_t, neg_r, ent_w, rel_w, proj_w):
    pos_h_e = jnp.take(ent_w, pos_h, axis=0)
    pos_t_e = jnp.take(ent_w, pos_t, axis=0)
    pos_r_e = jnp.take(rel_w, pos_r, axis=0)
    pos_proj = jnp.take(proj_w, pos_r, axis=0)
    neg_h_e = jnp.take(ent_w, neg_h, axis=0)
    neg_t_e = jnp.take(ent_w, neg_t, axis=0)
    neg_r_e = jnp.take(rel_w, neg_r, axis=0)
    neg_proj = jnp.take(proj_w, neg_r, axis=0)
    pos_h_e = projection_transR(pos_h_e, pos_proj)
    pos_t_e = projection_transR(pos_t_e, pos_proj)
    neg_h_e = projection_transR(neg_h_e, neg_proj)
    neg_t_e = projection_transR(neg_t_e, neg_proj)
    # L1_flag = True
    pos = jnp.sum(jnp.abs(pos_h_e + pos_r_e - pos_t_e), axis=1)
    neg = jnp.sum(jnp.abs(neg_h_e + neg_r_e - neg_t_e), axis=1)
    return (pos, neg, pos_h_e, pos_t_e, neg_h_e, neg_t_e)

if __name__ == "__main__":
    import jax
    _d = setup_inputs()
    print(jax.jit(kernel)(*tuple(_d.values())))

</pallas_src>

<mosaic_0001>
#map = affine_map<(d0, d1) -> (0, 0)>
#map1 = affine_map<(d0, d1) -> (0)>
module attributes {stable_mosaic.version = 14 : i64} {
  func.func @k(%arg0: i32, %arg1: i32, %arg2: memref<500x128xf32, #tpu.memory_space<hbm>>, %arg3: memref<8192xi32, #tpu.memory_space<hbm>>, %arg4: memref<8192x128xf32, #tpu.memory_space<hbm>>, %arg5: memref<256xi32, #tpu.memory_space<vmem>>, %arg6: memref<256x128xf32, #tpu.memory_space<vmem>>, %arg7: memref<!tpu.dma_semaphore, #tpu.memory_space<semaphore_mem>>) attributes {dimension_semantics = [#tpu.dimension_semantics<core_parallel>, #tpu.dimension_semantics<subcore_parallel>], iteration_bounds = array<i64: 2, 16>, scalar_prefetch = 0 : i64, scratch_operands = 3 : i64, tpu.core_type = #tpu.core_type<sc_vector_subcore>, window_params = [{transform_indices = #map}, {transform_indices = #map1}, {transform_indices = #map}]} {
    %mul3A = arith.constant 2 : i32
    %mul3A_0 = arith.muli %arg1, %mul3A : i32
    %add3A = arith.addi %mul3A_0, %arg0 : i32
    %mul3A_1 = arith.constant 256 : i32
    %mul3A_2 = arith.muli %add3A, %mul3A_1 : i32
    "tpu.region"() ({
      %run_scoped3A = tpu.sem_alloc : memref<!tpu.dma_semaphore, #tpu.memory_space<semaphore_mem>>
      %dma_start3A_7 = tpu.memref_slice %arg3[%mul3A_2] : memref<8192xi32, #tpu.memory_space<hbm>> -> memref<256xi32, #tpu.memory_space<hbm>>
      %dma_start3A_8 = tpu.memref_slice %arg3[%mul3A_2] : memref<8192xi32, #tpu.memory_space<hbm>> -> memref<256xi32, #tpu.memory_space<hbm>>
      tpu.enqueue_dma source(%dma_start3A_8 : memref<256xi32, #tpu.memory_space<hbm>>) target(%arg5 : memref<256xi32, #tpu.memory_space<vmem>>) target_semaphore(%run_scoped3A : memref<!tpu.dma_semaphore, #tpu.memory_space<semaphore_mem>>)
      %dma_wait3A_9 = tpu.memref_slice %arg3[%mul3A_2] : memref<8192xi32, #tpu.memory_space<hbm>> -> memref<256xi32, #tpu.memory_space<hbm>>
      %dma_wait3A_10 = tpu.memref_slice %arg3[%mul3A_2] : memref<8192xi32, #tpu.memory_space<hbm>> -> memref<256xi32, #tpu.memory_space<hbm>>
      tpu.wait_dma2 semaphore(%run_scoped3A : memref<!tpu.dma_semaphore, #tpu.memory_space<semaphore_mem>>) src(%dma_wait3A_10 : memref<256xi32, #tpu.memory_space<hbm>>) dst(%arg5 : memref<256xi32, #tpu.memory_space<vmem>>)
      tpu.yield
    }) : () -> ()
    %dma_start3A = arith.constant 0 : i32
    %dma_start3A_3 = arith.constant 0 : i32
    %dma_start3A_4 = tpu.memref_slice %arg2[%dma_start3A, %dma_start3A_3] : memref<500x128xf32, #tpu.memory_space<hbm>> -> memref<500x128xf32, #tpu.memory_space<hbm>>
    tpu.enqueue_indirect_dma source(%dma_start3A_4 : memref<500x128xf32, #tpu.memory_space<hbm>>) target(%arg6 : memref<256x128xf32, #tpu.memory_space<vmem>>) offsets(%arg5 : memref<256xi32, #tpu.memory_space<vmem>>) semaphore(%arg7 : memref<!tpu.dma_semaphore, #tpu.memory_space<semaphore_mem>>)
    %dma_wait3A = arith.constant 0 : i32
    %dma_wait3A_5 = arith.constant 0 : i32
    %dma_wait3A_6 = tpu.memref_slice %arg2[%dma_wait3A, %dma_wait3A_5] : memref<500x128xf32, #tpu.memory_space<hbm>> -> memref<500x128xf32, #tpu.memory_space<hbm>>
    tpu.wait_indirect_dma semaphore(%arg7 : memref<!tpu.dma_semaphore, #tpu.memory_space<semaphore_mem>>) src(%dma_wait3A_6 : memref<500x128xf32, #tpu.memory_space<hbm>>) dst(%arg6 : memref<256x128xf32, #tpu.memory_space<vmem>>)
    "tpu.region"() ({
      %run_scoped3A = tpu.sem_alloc : memref<!tpu.dma_semaphore, #tpu.memory_space<semaphore_mem>>
      %dma_start3A_7 = arith.constant 0 : i32
      %dma_start3A_8 = tpu.memref_slice %arg4[%mul3A_2, %dma_start3A_7] : memref<8192x128xf32, #tpu.memory_space<hbm>> -> memref<256x128xf32, #tpu.memory_space<hbm>>
      %dma_start3A_9 = arith.constant 0 : i32
      %dma_start3A_10 = tpu.memref_slice %arg4[%mul3A_2, %dma_start3A_9] : memref<8192x128xf32, #tpu.memory_space<hbm>> -> memref<256x128xf32, #tpu.memory_space<hbm>>
      tpu.enqueue_dma source(%arg6 : memref<256x128xf32, #tpu.memory_space<vmem>>) target(%dma_start3A_10 : memref<256x128xf32, #tpu.memory_space<hbm>>) target_semaphore(%run_scoped3A : memref<!tpu.dma_semaphore, #tpu.memory_space<semaphore_mem>>)
      %dma_wait3A_11 = arith.constant 0 : i32
      %dma_wait3A_12 = tpu.memref_slice %arg4[%mul3A_2, %dma_wait3A_11] : memref<8192x128xf32, #tpu.memory_space<hbm>> -> memref<256x128xf32, #tpu.memory_space<hbm>>
      %dma_wait3A_13 = arith.constant 0 : i32
      %dma_wait3A_14 = tpu.memref_slice %arg4[%mul3A_2, %dma_wait3A_13] : memref<8192x128xf32, #tpu.memory_space<hbm>> -> memref<256x128xf32, #tpu.memory_space<hbm>>
      tpu.wait_dma2 semaphore(%run_scoped3A : memref<!tpu.dma_semaphore, #tpu.memory_space<semaphore_mem>>) src(%arg6 : memref<256x128xf32, #tpu.memory_space<vmem>>) dst(%dma_wait3A_14 : memref<256x128xf32, #tpu.memory_space<hbm>>)
      tpu.yield
    }) : () -> ()
    return
  }
}

#map = affine_map<(d0, d1) -> (0, 0)>
#map1 = affine_map<(d0, d1) -> (0)>
module attributes {stable_mosaic.version = 14 : i64} {
  func.func @k(%arg0: i32, %arg1: i32, %arg2: memref<500000x128xf32, #tpu.memory_space<hbm>>, %arg3: memref<16384xi32, #tpu.memory_space<hbm>>, %arg4: memref<16384x128xf32, #tpu.memory_space<hbm>>, %arg5: memref<512xi32, #tpu.memory_space<vmem>>, %arg6: memref<512x128xf32, #tpu.memory_space<vmem>>, %arg7: memref<!tpu.dma_semaphore, #tpu.memory_space<semaphore_mem>>) attributes {dimension_semantics = [#tpu.dimension_semantics<core_parallel>, #tpu.dimension_semantics<subcore_parallel>], iteration_bounds = array<i64: 2, 16>, scalar_prefetch = 0 : i64, scratch_operands = 3 : i64, tpu.core_type = #tpu.core_type<sc_vector_subcore>, window_params = [{transform_indices = #map}, {transform_indices = #map1}, {transform_indices = #map}]} {
    %mul3A = arith.constant 2 : i32
    %mul3A_0 = arith.muli %arg1, %mul3A : i32
    %add3A = arith.addi %mul3A_0, %arg0 : i32
    %mul3A_1 = arith.constant 512 : i32
    %mul3A_2 = arith.muli %add3A, %mul3A_1 : i32
    "tpu.region"() ({
      %run_scoped3A = tpu.sem_alloc : memref<!tpu.dma_semaphore, #tpu.memory_space<semaphore_mem>>
      %dma_start3A_7 = tpu.memref_slice %arg3[%mul3A_2] : memref<16384xi32, #tpu.memory_space<hbm>> -> memref<512xi32, #tpu.memory_space<hbm>>
      %dma_start3A_8 = tpu.memref_slice %arg3[%mul3A_2] : memref<16384xi32, #tpu.memory_space<hbm>> -> memref<512xi32, #tpu.memory_space<hbm>>
      tpu.enqueue_dma source(%dma_start3A_8 : memref<512xi32, #tpu.memory_space<hbm>>) target(%arg5 : memref<512xi32, #tpu.memory_space<vmem>>) target_semaphore(%run_scoped3A : memref<!tpu.dma_semaphore, #tpu.memory_space<semaphore_mem>>)
      %dma_wait3A_9 = tpu.memref_slice %arg3[%mul3A_2] : memref<16384xi32, #tpu.memory_space<hbm>> -> memref<512xi32, #tpu.memory_space<hbm>>
      %dma_wait3A_10 = tpu.memref_slice %arg3[%mul3A_2] : memref<16384xi32, #tpu.memory_space<hbm>> -> memref<512xi32, #tpu.memory_space<hbm>>
      tpu.wait_dma2 semaphore(%run_scoped3A : memref<!tpu.dma_semaphore, #tpu.memory_space<semaphore_mem>>) src(%dma_wait3A_10 : memref<512xi32, #tpu.memory_space<hbm>>) dst(%arg5 : memref<512xi32, #tpu.memory_space<vmem>>)
      tpu.yield
    }) : () -> ()
    %dma_start3A = arith.constant 0 : i32
    %dma_start3A_3 = arith.constant 0 : i32
    %dma_start3A_4 = tpu.memref_slice %arg2[%dma_start3A, %dma_start3A_3] : memref<500000x128xf32, #tpu.memory_space<hbm>> -> memref<500000x128xf32, #tpu.memory_space<hbm>>
    tpu.enqueue_indirect_dma source(%dma_start3A_4 : memref<500000x128xf32, #tpu.memory_space<hbm>>) target(%arg6 : memref<512x128xf32, #tpu.memory_space<vmem>>) offsets(%arg5 : memref<512xi32, #tpu.memory_space<vmem>>) semaphore(%arg7 : memref<!tpu.dma_semaphore, #tpu.memory_space<semaphore_mem>>)
    %dma_wait3A = arith.constant 0 : i32
    %dma_wait3A_5 = arith.constant 0 : i32
    %dma_wait3A_6 = tpu.memref_slice %arg2[%dma_wait3A, %dma_wait3A_5] : memref<500000x128xf32, #tpu.memory_space<hbm>> -> memref<500000x128xf32, #tpu.memory_space<hbm>>
    tpu.wait_indirect_dma semaphore(%arg7 : memref<!tpu.dma_semaphore, #tpu.memory_space<semaphore_mem>>) src(%dma_wait3A_6 : memref<500000x128xf32, #tpu.memory_space<hbm>>) dst(%arg6 : memref<512x128xf32, #tpu.memory_space<vmem>>)
    "tpu.region"() ({
      %run_scoped3A = tpu.sem_alloc : memref<!tpu.dma_semaphore, #tpu.memory_space<semaphore_mem>>
      %dma_start3A_7 = arith.constant 0 : i32
      %dma_start3A_8 = tpu.memref_slice %arg4[%mul3A_2, %dma_start3A_7] : memref<16384x128xf32, #tpu.memory_space<hbm>> -> memref<512x128xf32, #tpu.memory_space<hbm>>
      %dma_start3A_9 = arith.constant 0 : i32
      %dma_start3A_10 = tpu.memref_slice %arg4[%mul3A_2, %dma_start3A_9] : memref<16384x128xf32, #tpu.memory_space<hbm>> -> memref<512x128xf32, #tpu.memory_space<hbm>>
      tpu.enqueue_dma source(%arg6 : memref<512x128xf32, #tpu.memory_space<vmem>>) target(%dma_start3A_10 : memref<512x128xf32, #tpu.memory_space<hbm>>) target_semaphore(%run_scoped3A : memref<!tpu.dma_semaphore, #tpu.memory_space<semaphore_mem>>)
      %dma_wait3A_11 = arith.constant 0 : i32
      %dma_wait3A_12 = tpu.memref_slice %arg4[%mul3A_2, %dma_wait3A_11] : memref<16384x128xf32, #tpu.memory_space<hbm>> -> memref<512x128xf32, #tpu.memory_space<hbm>>
      %dma_wait3A_13 = arith.constant 0 : i32
      %dma_wait3A_14 = tpu.memref_slice %arg4[%mul3A_2, %dma_wait3A_13] : memref<16384x128xf32, #tpu.memory_space<hbm>> -> memref<512x128xf32, #tpu.memory_space<hbm>>
      tpu.wait_dma2 semaphore(%run_scoped3A : memref<!tpu.dma_semaphore, #tpu.memory_space<semaphore_mem>>) src(%arg6 : memref<512x128xf32, #tpu.memory_space<vmem>>) dst(%dma_wait3A_14 : memref<512x128xf32, #tpu.memory_space<hbm>>)
      tpu.yield
    }) : () -> ()
    return
  }
}

module attributes {stable_mosaic.version = 14 : i64} {
  func.func @_tc_body(%arg0: i32, %arg1: memref<4096xi32, #tpu.memory_space<smem>>, %arg2: memref<4096xi32, #tpu.memory_space<smem>>, %arg3: memref<1000x32x128xf32, #tpu.memory_space<vmem>>, %arg4: memref<128x128xf32, #tpu.memory_space<vmem>>, %arg5: memref<128x128xf32, #tpu.memory_space<vmem>>, %arg6: memref<128x128xf32, #tpu.memory_space<vmem>>, %arg7: memref<128x128xf32, #tpu.memory_space<vmem>>, %arg8: memref<128x128xf32, #tpu.memory_space<vmem>>, %arg9: memref<128x128xf32, #tpu.memory_space<vmem>>, %arg10: memref<1x6x128xf32, #tpu.memory_space<vmem>>, %arg11: memref<128x64xf32, #tpu.memory_space<vmem>>, %arg12: memref<128x64xf32, #tpu.memory_space<vmem>>, %arg13: memref<128x64xf32, #tpu.memory_space<vmem>>, %arg14: memref<128x64xf32, #tpu.memory_space<vmem>>, %arg15: memref<128xf32, #tpu.memory_space<vmem>>, %arg16: memref<128xf32, #tpu.memory_space<vmem>>, %arg17: memref<128x32x128xf32, #tpu.memory_space<vmem>>, %arg18: memref<128x32x128xf32, #tpu.memory_space<vmem>>) attributes {dimension_semantics = [#tpu.dimension_semantics<parallel>], iteration_bounds = array<i64: 32>, scalar_prefetch = 2 : i64, scratch_operands = 2 : i64, tpu.core_type = #tpu.core_type<tc>, window_params = [{pipeline_mode = #tpu.pipeline_mode<synchronous>, transform_indices = @transform_0, window_bounds = array<i64: 1000, 32, 128>}, {transform_indices = @transform_1, window_bounds = array<i64: 128, 128>}, {transform_indices = @transform_2, window_bounds = array<i64: 128, 128>}, {transform_indices = @transform_3, window_bounds = array<i64: 128, 128>}, {transform_indices = @transform_4, window_bounds = array<i64: 128, 128>}, {transform_indices = @transform_5, window_bounds = array<i64: 128, 128>}, {transform_indices = @transform_6, window_bounds = array<i64: 128, 128>}, {transform_indices = @transform_7, window_bounds = array<i64: 1, 6, 128>}, {transform_indices = @transform_8, window_bounds = array<i64: 128, 64>}, {transform_indices = @transform_9, window_bounds = array<i64: 128, 64>}, {transform_indices = @transform_10, window_bounds = array<i64: 128, 64>}, {transform_indices = @transform_11, window_bounds = array<i64: 128, 64>}, {transform_indices = @transform_12, window_bounds = array<i64: 128>}, {transform_indices = @transform_13, window_bounds = array<i64: 128>}]} {
    %scan3A = arith.constant 0 : i32
    %scan3A_0 = arith.constant 128 : i32
    %scan3A_1 = arith.addi %scan3A, %scan3A_0 : i32
    %scan3A_2 = arith.constant 1 : i32
    scf.for %scan3A_229 = %scan3A to %scan3A_1 step %scan3A_2  : i32 {
      %mul3A_230 = arith.constant 128 : i32
      %mul3A_231 = arith.muli %arg0, %mul3A_230 : i32
      %add3A_232 = arith.addi %mul3A_231, %scan3A_229 : i32
      %get3A_233 = arith.index_cast %add3A_232 : i32 to index
      %get3A_234 = memref.load %arg1[%get3A_233] : memref<4096xi32, #tpu.memory_space<smem>>
      %get3A_235 = arith.index_cast %get3A_234 : i32 to index
      %get3A_236 = arith.constant 0 : index
      %get3A_237 = arith.constant 0 : index
      %get3A_238 = vector.load %arg3[%get3A_235, %get3A_236, %get3A_237] : memref<1000x32x128xf32, #tpu.memory_space<vmem>>, vector<1x32x128xf32>
      %get3A_239 = vector.shape_cast %get3A_238 : vector<1x32x128xf32> to vector<32x128xf32>
      %swap3A_240 = arith.index_cast %scan3A_229 : i32 to index
      %swap3A_241 = arith.constant 0 : index
      %swap3A_242 = arith.constant 0 : index
      %swap3A_243 = vector.load %arg17[%swap3A_240, %swap3A_241, %swap3A_242] : memref<128x32x128xf32, #tpu.memory_space<vmem>>, vector<1x32x128xf32>
      %swap3A_244 = vector.shape_cast %swap3A_243 : vector<1x32x128xf32> to vector<32x128xf32>
      %swap3A_245 = vector.shape_cast %get3A_239 : vector<32x128xf32> to vector<1x32x128xf32>
      tpu.vector_store %arg17[%swap3A_240, %swap3A_241, %swap3A_242], %swap3A_245 {strides = array<i32>} : memref<128x32x128xf32, #tpu.memory_space<vmem>>, vector<1x32x128xf32>,
      %mul3A_246 = arith.constant 128 : i32
      %mul3A_247 = arith.muli %arg0, %mul3A_246 : i32
      %add3A_248 = arith.addi %mul3A_247, %scan3A_229 : i32
      %get3A_249 = arith.index_cast %add3A_248 : i32 to index
      %get3A_250 = memref.load %arg2[%get3A_249] : memref<4096xi32, #tpu.memory_space<smem>>
      %get3A_251 = arith.index_cast %get3A_250 : i32 to index
      %get3A_252 = arith.constant 0 : index
      %get3A_253 = arith.constant 0 : index
      %get3A_254 = vector.load %arg3[%get3A_251, %get3A_252, %get3A_253] : memref<1000x32x128xf32, #tpu.memory_space<vmem>>, vector<1x32x128xf32>
      %get3A_255 = vector.shape_cast %get3A_254 : vector<1x32x128xf32> to vector<32x128xf32>
      %swap3A_256 = arith.index_cast %scan3A_229 : i32 to index
      %swap3A_257 = arith.constant 0 : index
      %swap3A_258 = arith.constant 0 : index
      %swap3A_259 = vector.load %arg18[%swap3A_256, %swap3A_257, %swap3A_258] : memref<128x32x128xf32, #tpu.memory_space<vmem>>, vector<1x32x128xf32>
      %swap3A_260 = vector.shape_cast %swap3A_259 : vector<1x32x128xf32> to vector<32x128xf32>
      %swap3A_261 = vector.shape_cast %get3A_255 : vector<32x128xf32> to vector<1x32x128xf32>
      tpu.vector_store %arg18[%swap3A_256, %swap3A_257, %swap3A_258], %swap3A_261 {strides = array<i32>} : memref<128x32x128xf32, #tpu.memory_space<vmem>>, vector<1x32x128xf32>,
    }
    %scan3A_3 = arith.constant 128 : i32
    %get3A = arith.constant 0 : index
    %get3A_4 = arith.constant 0 : index
    %get3A_5 = arith.constant 0 : index
    %get3A_6 = vector.load %arg10[%get3A, %get3A_4, %get3A_5] : memref<1x6x128xf32, #tpu.memory_space<vmem>>, vector<1x6x128xf32>
    %get3A_7 = vector.shape_cast %get3A_6 : vector<1x6x128xf32> to vector<6x128xf32>
    %iota3A = tpu.iota {dimensions = array<i32: 1>} : vector<1x128xi32>
    %lt3A = arith.constant 64 : i32
    %lt3A_8 = vector.broadcast %lt3A : i32 to vector<1x128xi32>
    %lt3A_9 = arith.cmpi slt, %iota3A, %lt3A_8 : vector<1x128xi32>
    %convert_element_type3A = arith.extui %lt3A_9 : vector<1x128xi1> to vector<1x128xi32>
    %convert_element_type3A_10 = arith.sitofp %convert_element_type3A : vector<1x128xi32> to vector<1x128xf32>
    %get3A_11 = arith.constant 0 : index
    %get3A_12 = arith.constant 0 : index
    %get3A_13 = vector.load %arg4[%get3A_11, %get3A_12] : memref<128x128xf32, #tpu.memory_space<vmem>>, vector<128x128xf32>
    %slice3A = vector.extract_strided_slice %get3A_7 {offsets = [0, 0], sizes = [1, 128], strides = [1, 1]} : vector<6x128xf32> to vector<1x128xf32>
    %squeeze3A = vector.shape_cast %slice3A : vector<1x128xf32> to vector<128xf32>
    %broadcast_in_dim3A = vector.shape_cast %squeeze3A : vector<128xf32> to vector<128x1xf32>
    %slice3A_14 = vector.extract_strided_slice %get3A_13 {offsets = [0, 64], sizes = [128, 64], strides = [1, 1]} : vector<128x128xf32> to vector<128x64xf32>
    %slice3A_15 = vector.extract_strided_slice %get3A_13 {offsets = [0, 0], sizes = [128, 64], strides = [1, 1]} : vector<128x128xf32> to vector<128x64xf32>
    %concatenate3A = tpu.concatenate %slice3A_14, %slice3A_15 in 1 : vector<128x64xf32>, vector<128x64xf32> -> vector<128x128xf32>
    %sub3A = arith.constant 1.000000e+00 : f32
    %sub3A_16 = vector.broadcast %sub3A : f32 to vector<128x1xf32>
    %sub3A_17 = arith.subf %sub3A_16, %broadcast_in_dim3A : vector<128x1xf32>
    %mul3A = vector.broadcast %convert_element_type3A_10 : vector<1x128xf32> to vector<128x128xf32>
    %mul3A_18 = vector.broadcast %sub3A_17 : vector<128x1xf32> to vector<128x128xf32>
    %mul3A_19 = arith.mulf %mul3A, %mul3A_18 : vector<128x128xf32>
    %sub3A_20 = arith.constant 1.000000e+00 : f32
    %sub3A_21 = vector.broadcast %sub3A_20 : f32 to vector<1x128xf32>
    %sub3A_22 = arith.subf %sub3A_21, %convert_element_type3A_10 : vector<1x128xf32>
    %mul3A_23 = vector.broadcast %sub3A_22 : vector<1x128xf32> to vector<128x128xf32>
    %mul3A_24 = vector.broadcast %broadcast_in_dim3A : vector<128x1xf32> to vector<128x128xf32>
    %mul3A_25 = arith.mulf %mul3A_23, %mul3A_24 : vector<128x128xf32>
    %add3A = arith.addf %mul3A_19, %mul3A_25 : vector<128x128xf32>
    %mul3A_26 = arith.mulf %get3A_13, %add3A : vector<128x128xf32>
    %sub3A_27 = arith.constant 1.000000e+00 : f32
    %sub3A_28 = vector.broadcast %sub3A_27 : f32 to vector<128x128xf32>
    %sub3A_29 = arith.subf %sub3A_28, %add3A : vector<128x128xf32>
    %mul3A_30 = arith.mulf %concatenate3A, %sub3A_29 : vector<128x128xf32>
    %add3A_31 = arith.addf %mul3A_26, %mul3A_30 : vector<128x128xf32>
    %get3A_32 = arith.constant 0 : index
    %get3A_33 = arith.constant 0 : index
    %get3A_34 = vector.load %arg5[%get3A_32, %get3A_33] : memref<128x128xf32, #tpu.memory_space<vmem>>, vector<128x128xf32>
    %slice3A_35 = vector.extract_strided_slice %get3A_7 {offsets = [1, 0], sizes = [1, 128], strides = [1, 1]} : vector<6x128xf32> to vector<1x128xf32>
    %squeeze3A_36 = vector.shape_cast %slice3A_35 : vector<1x128xf32> to vector<128xf32>
    %broadcast_in_dim3A_37 = vector.shape_cast %squeeze3A_36 : vector<128xf32> to vector<128x1xf32>
    %slice3A_38 = vector.extract_strided_slice %get3A_34 {offsets = [0, 64], sizes = [128, 64], strides = [1, 1]} : vector<128x128xf32> to vector<128x64xf32>
    %slice3A_39 = vector.extract_strided_slice %get3A_34 {offsets = [0, 0], sizes = [128, 64], strides = [1, 1]} : vector<128x128xf32> to vector<128x64xf32>
    %concatenate3A_40 = tpu.concatenate %slice3A_38, %slice3A_39 in 1 : vector<128x64xf32>, vector<128x64xf32> -> vector<128x128xf32>
    %sub3A_41 = arith.constant 1.000000e+00 : f32
    %sub3A_42 = vector.broadcast %sub3A_41 : f32 to vector<128x1xf32>
    %sub3A_43 = arith.subf %sub3A_42, %broadcast_in_dim3A_37 : vector<128x1xf32>
    %mul3A_44 = vector.broadcast %convert_element_type3A_10 : vector<1x128xf32> to vector<128x128xf32>
    %mul3A_45 = vector.broadcast %sub3A_43 : vector<128x1xf32> to vector<128x128xf32>
    %mul3A_46 = arith.mulf %mul3A_44, %mul3A_45 : vector<128x128xf32>
    %sub3A_47 = arith.constant 1.000000e+00 : f32
    %sub3A_48 = vector.broadcast %sub3A_47 : f32 to vector<1x128xf32>
    %sub3A_49 = arith.subf %sub3A_48, %convert_element_type3A_10 : vector<1x128xf32>
    %mul3A_50 = vector.broadcast %sub3A_49 : vector<1x128xf32> to vector<128x128xf32>
    %mul3A_51 = vector.broadcast %broadcast_in_dim3A_37 : vector<128x1xf32> to vector<128x128xf32>
    %mul3A_52 = arith.mulf %mul3A_50, %mul3A_51 : vector<128x128xf32>
    %add3A_53 = arith.addf %mul3A_46, %mul3A_52 : vector<128x128xf32>
    %mul3A_54 = arith.mulf %get3A_34, %add3A_53 : vector<128x128xf32>
    %sub3A_55 = arith.constant 1.000000e+00 : f32
    %sub3A_56 = vector.broadcast %sub3A_55 : f32 to vector<128x128xf32>
    %sub3A_57 = arith.subf %sub3A_56, %add3A_53 : vector<128x128xf32>
    %mul3A_58 = arith.mulf %concatenate3A_40, %sub3A_57 : vector<128x128xf32>
    %add3A_59 = arith.addf %mul3A_54, %mul3A_58 : vector<128x128xf32>
    %get3A_60 = arith.constant 0 : index
    %get3A_61 = arith.constant 0 : index
    %get3A_62 = vector.load %arg6[%get3A_60, %get3A_61] : memref<128x128xf32, #tpu.memory_space<vmem>>, vector<128x128xf32>
    %slice3A_63 = vector.extract_strided_slice %get3A_7 {offsets = [2, 0], sizes = [1, 128], strides = [1, 1]} : vector<6x128xf32> to vector<1x128xf32>
    %squeeze3A_64 = vector.shape_cast %slice3A_63 : vector<1x128xf32> to vector<128xf32>
    %broadcast_in_dim3A_65 = vector.shape_cast %squeeze3A_64 : vector<128xf32> to vector<128x1xf32>
    %slice3A_66 = vector.extract_strided_slice %get3A_62 {offsets = [0, 64], sizes = [128, 64], strides = [1, 1]} : vector<128x128xf32> to vector<128x64xf32>
    %slice3A_67 = vector.extract_strided_slice %get3A_62 {offsets = [0, 0], sizes = [128, 64], strides = [1, 1]} : vector<128x128xf32> to vector<128x64xf32>
    %concatenate3A_68 = tpu.concatenate %slice3A_66, %slice3A_67 in 1 : vector<128x64xf32>, vector<128x64xf32> -> vector<128x128xf32>
    %sub3A_69 = arith.constant 1.000000e+00 : f32
    %sub3A_70 = vector.broadcast %sub3A_69 : f32 to vector<128x1xf32>
    %sub3A_71 = arith.subf %sub3A_70, %broadcast_in_dim3A_65 : vector<128x1xf32>
    %mul3A_72 = vector.broadcast %convert_element_type3A_10 : vector<1x128xf32> to vector<128x128xf32>
    %mul3A_73 = vector.broadcast %sub3A_71 : vector<128x1xf32> to vector<128x128xf32>
    %mul3A_74 = arith.mulf %mul3A_72, %mul3A_73 : vector<128x128xf32>
    %sub3A_75 = arith.constant 1.000000e+00 : f32
    %sub3A_76 = vector.broadcast %sub3A_75 : f32 to vector<1x128xf32>
    %sub3A_77 = arith.subf %sub3A_76, %convert_element_type3A_10 : vector<1x128xf32>
    %mul3A_78 = vector.broadcast %sub3A_77 : vector<1x128xf32> to vector<128x128xf32>
    %mul3A_79 = vector.broadcast %broadcast_in_dim3A_65 : vector<128x1xf32> to vector<128x128xf32>
    %mul3A_80 = arith.mulf %mul3A_78, %mul3A_79 : vector<128x128xf32>
    %add3A_81 = arith.addf %mul3A_74, %mul3A_80 : vector<128x128xf32>
    %mul3A_82 = arith.mulf %get3A_62, %add3A_81 : vector<128x128xf32>
    %sub3A_83 = arith.constant 1.000000e+00 : f32
    %sub3A_84 = vector.broadcast %sub3A_83 : f32 to vector<128x128xf32>
    %sub3A_85 = arith.subf %sub3A_84, %add3A_81 : vector<128x128xf32>
    %mul3A_86 = arith.mulf %concatenate3A_68, %sub3A_85 : vector<128x128xf32>
    %add3A_87 = arith.addf %mul3A_82, %mul3A_86 : vector<128x128xf32>
    %get3A_88 = arith.constant 0 : index
    %get3A_89 = arith.constant 0 : index
    %get3A_90 = vector.load %arg7[%get3A_88, %get3A_89] : memref<128x128xf32, #tpu.memory_space<vmem>>, vector<128x128xf32>
    %slice3A_91 = vector.extract_strided_slice %get3A_7 {offsets = [3, 0], sizes = [1, 128], strides = [1, 1]} : vector<6x128xf32> to vector<1x128xf32>
    %squeeze3A_92 = vector.shape_cast %slice3A_91 : vector<1x128xf32> to vector<128xf32>
    %broadcast_in_dim3A_93 = vector.shape_cast %squeeze3A_92 : vector<128xf32> to vector<128x1xf32>
    %slice3A_94 = vector.extract_strided_slice %get3A_90 {offsets = [0, 64], sizes = [128, 64], strides = [1, 1]} : vector<128x128xf32> to vector<128x64xf32>
    %slice3A_95 = vector.extract_strided_slice %get3A_90 {offsets = [0, 0], sizes = [128, 64], strides = [1, 1]} : vector<128x128xf32> to vector<128x64xf32>
    %concatenate3A_96 = tpu.concatenate %slice3A_94, %slice3A_95 in 1 : vector<128x64xf32>, vector<128x64xf32> -> vector<128x128xf32>
    %sub3A_97 = arith.constant 1.000000e+00 : f32
    %sub3A_98 = vector.broadcast %sub3A_97 : f32 to vector<128x1xf32>
    %sub3A_99 = arith.subf %sub3A_98, %broadcast_in_dim3A_93 : vector<128x1xf32>
    %mul3A_100 = vector.broadcast %convert_element_type3A_10 : vector<1x128xf32> to vector<128x128xf32>
    %mul3A_101 = vector.broadcast %sub3A_99 : vector<128x1xf32> to vector<128x128xf32>
    %mul3A_102 = arith.mulf %mul3A_100, %mul3A_101 : vector<128x128xf32>
    %sub3A_103 = arith.constant 1.000000e+00 : f32
    %sub3A_104 = vector.broadcast %sub3A_103 : f32 to vector<1x128xf32>
    %sub3A_105 = arith.subf %sub3A_104, %convert_element_type3A_10 : vector<1x128xf32>
    %mul3A_106 = vector.broadcast %sub3A_105 : vector<1x128xf32> to vector<128x128xf32>
    %mul3A_107 = vector.broadcast %broadcast_in_dim3A_93 : vector<128x1xf32> to vector<128x128xf32>
    %mul3A_108 = arith.mulf %mul3A_106, %mul3A_107 : vector<128x128xf32>
    %add3A_109 = arith.addf %mul3A_102, %mul3A_108 : vector<128x128xf32>
    %mul3A_110 = arith.mulf %get3A_90, %add3A_109 : vector<128x128xf32>
    %sub3A_111 = arith.constant 1.000000e+00 : f32
    %sub3A_112 = vector.broadcast %sub3A_111 : f32 to vector<128x128xf32>
    %sub3A_113 = arith.subf %sub3A_112, %add3A_109 : vector<128x128xf32>
    %mul3A_114 = arith.mulf %concatenate3A_96, %sub3A_113 : vector<128x128xf32>
    %add3A_115 = arith.addf %mul3A_110, %mul3A_114 : vector<128x128xf32>
    %get3A_116 = arith.constant 0 : index
    %get3A_117 = arith.constant 0 : index
    %get3A_118 = vector.load %arg8[%get3A_116, %get3A_117] : memref<128x128xf32, #tpu.memory_space<vmem>>, vector<128x128xf32>
    %slice3A_119 = vector.extract_strided_slice %get3A_7 {offsets = [4, 0], sizes = [1, 128], strides = [1, 1]} : vector<6x128xf32> to vector<1x128xf32>
    %squeeze3A_120 = vector.shape_cast %slice3A_119 : vector<1x128xf32> to vector<128xf32>
    %broadcast_in_dim3A_121 = vector.shape_cast %squeeze3A_120 : vector<128xf32> to vector<128x1xf32>
    %slice3A_122 = vector.extract_strided_slice %get3A_118 {offsets = [0, 0], sizes = [128, 64], strides = [1, 1]} : vector<128x128xf32> to vector<128x64xf32>
    %sub3A_123 = arith.constant 1.000000e+00 : f32
    %sub3A_124 = vector.broadcast %sub3A_123 : f32 to vector<128x1xf32>
    %sub3A_125 = arith.subf %sub3A_124, %broadcast_in_dim3A_121 : vector<128x1xf32>
    %mul3A_126 = vector.broadcast %sub3A_125 : vector<128x1xf32> to vector<128x64xf32>
    %mul3A_127 = arith.mulf %slice3A_122, %mul3A_126 : vector<128x64xf32>
    %slice3A_128 = vector.extract_strided_slice %get3A_118 {offsets = [0, 64], sizes = [128, 64], strides = [1, 1]} : vector<128x128xf32> to vector<128x64xf32>
    %mul3A_129 = vector.broadcast %broadcast_in_dim3A_121 : vector<128x1xf32> to vector<128x64xf32>
    %mul3A_130 = arith.mulf %slice3A_128, %mul3A_129 : vector<128x64xf32>
    %add3A_131 = arith.addf %mul3A_127, %mul3A_130 : vector<128x64xf32>
    %get3A_132 = arith.constant 0 : index
    %get3A_133 = arith.constant 0 : index
    %get3A_134 = vector.load %arg9[%get3A_132, %get3A_133] : memref<128x128xf32, #tpu.memory_space<vmem>>, vector<128x128xf32>
    %slice3A_135 = vector.extract_strided_slice %get3A_7 {offsets = [5, 0], sizes = [1, 128], strides = [1, 1]} : vector<6x128xf32> to vector<1x128xf32>
    %squeeze3A_136 = vector.shape_cast %slice3A_135 : vector<1x128xf32> to vector<128xf32>
    %broadcast_in_dim3A_137 = vector.shape_cast %squeeze3A_136 : vector<128xf32> to vector<128x1xf32>
    %slice3A_138 = vector.extract_strided_slice %get3A_134 {offsets = [0, 0], sizes = [128, 64], strides = [1, 1]} : vector<128x128xf32> to vector<128x64xf32>
    %sub3A_139 = arith.constant 1.000000e+00 : f32
    %sub3A_140 = vector.broadcast %sub3A_139 : f32 to vector<128x1xf32>
    %sub3A_141 = arith.subf %sub3A_140, %broadcast_in_dim3A_137 : vector<128x1xf32>
    %mul3A_142 = vector.broadcast %sub3A_141 : vector<128x1xf32> to vector<128x64xf32>
    %mul3A_143 = arith.mulf %slice3A_138, %mul3A_142 : vector<128x64xf32>
    %slice3A_144 = vector.extract_strided_slice %get3A_134 {offsets = [0, 64], sizes = [128, 64], strides = [1, 1]} : vector<128x128xf32> to vector<128x64xf32>
    %mul3A_145 = vector.broadcast %broadcast_in_dim3A_137 : vector<128x1xf32> to vector<128x64xf32>
    %mul3A_146 = arith.mulf %slice3A_144, %mul3A_145 : vector<128x64xf32>
    %add3A_147 = arith.addf %mul3A_143, %mul3A_146 : vector<128x64xf32>
    %get3A_148 = arith.constant 0 : index
    %get3A_149 = arith.constant 0 : index
    %get3A_150 = arith.constant 0 : index
    %get3A_151 = vector.load %arg17[%get3A_148, %get3A_149, %get3A_150] : memref<128x32x128xf32, #tpu.memory_space<vmem>>, vector<128x32x128xf32>
    %get3A_152 = arith.constant 0 : index
    %get3A_153 = arith.constant 0 : index
    %get3A_154 = arith.constant 0 : index
    %get3A_155 = vector.load %arg18[%get3A_152, %get3A_153, %get3A_154] : memref<128x32x128xf32, #tpu.memory_space<vmem>>, vector<128x32x128xf32>
    %broadcast_in_dim3A_156 = vector.shape_cast %add3A_31 : vector<128x128xf32> to vector<128x1x128xf32>
    %mul3A_157 = vector.broadcast %broadcast_in_dim3A_156 : vector<128x1x128xf32> to vector<128x32x128xf32>
    %mul3A_158 = arith.mulf %get3A_151, %mul3A_157 : vector<128x32x128xf32>
    %slice3A_159 = vector.extract_strided_slice %mul3A_158 {offsets = [0, 0, 0], sizes = [128, 32, 64], strides = [1, 1, 1]} : vector<128x32x128xf32> to vector<128x32x64xf32>
    %reduce_sum3A = arith.constant dense<0.000000e+00> : vector<128x32xf32>
    %reduce_sum3A_160 = vector.multi_reduction <add>, %slice3A_159, %reduce_sum3A [2] : vector<128x32x64xf32> to vector<128x32xf32>
    %slice3A_161 = vector.extract_strided_slice %mul3A_158 {offsets = [0, 0, 64], sizes = [128, 32, 64], strides = [1, 1, 1]} : vector<128x32x128xf32> to vector<128x32x64xf32>
    %reduce_sum3A_162 = arith.constant dense<0.000000e+00> : vector<128x32xf32>
    %reduce_sum3A_163 = vector.multi_reduction <add>, %slice3A_161, %reduce_sum3A_162 [2] : vector<128x32x64xf32> to vector<128x32xf32>
    %stack3A = vector.shape_cast %reduce_sum3A_160 : vector<128x32xf32> to vector<128x32x1xf32>
    %stack3A_164 = vector.shape_cast %reduce_sum3A_163 : vector<128x32xf32> to vector<128x32x1xf32>
    %stack3A_165 = tpu.concatenate %stack3A, %stack3A_164 in 2 : vector<128x32x1xf32>, vector<128x32x1xf32> -> vector<128x32x2xf32>
    %reshape3A = vector.shape_cast %stack3A_165 : vector<128x32x2xf32> to vector<128x64xf32>
    %broadcast_in_dim3A_166 = vector.shape_cast %add3A_59 : vector<128x128xf32> to vector<128x1x128xf32>
    %mul3A_167 = vector.broadcast %broadcast_in_dim3A_166 : vector<128x1x128xf32> to vector<128x32x128xf32>
    %mul3A_168 = arith.mulf %get3A_151, %mul3A_167 : vector<128x32x128xf32>
    %slice3A_169 = vector.extract_strided_slice %mul3A_168 {offsets = [0, 0, 0], sizes = [128, 32, 64], strides = [1, 1, 1]} : vector<128x32x128xf32> to vector<128x32x64xf32>
    %reduce_sum3A_170 = arith.constant dense<0.000000e+00> : vector<128x32xf32>
    %reduce_sum3A_171 = vector.multi_reduction <add>, %slice3A_169, %reduce_sum3A_170 [2] : vector<128x32x64xf32> to vector<128x32xf32>
    %slice3A_172 = vector.extract_strided_slice %mul3A_168 {offsets = [0, 0, 64], sizes = [128, 32, 64], strides = [1, 1, 1]} : vector<128x32x128xf32> to vector<128x32x64xf32>
    %reduce_sum3A_173 = arith.constant dense<0.000000e+00> : vector<128x32xf32>
    %reduce_sum3A_174 = vector.multi_reduction <add>, %slice3A_172, %reduce_sum3A_173 [2] : vector<128x32x64xf32> to vector<128x32xf32>
    %stack3A_175 = vector.shape_cast %reduce_sum3A_171 : vector<128x32xf32> to vector<128x32x1xf32>
    %stack3A_176 = vector.shape_cast %reduce_sum3A_174 : vector<128x32xf32> to vector<128x32x1xf32>
    %stack3A_177 = tpu.concatenate %stack3A_175, %stack3A_176 in 2 : vector<128x32x1xf32>, vector<128x32x1xf32> -> vector<128x32x2xf32>
    %reshape3A_178 = vector.shape_cast %stack3A_177 : vector<128x32x2xf32> to vector<128x64xf32>
    %broadcast_in_dim3A_179 = vector.shape_cast %add3A_87 : vector<128x128xf32> to vector<128x1x128xf32>
    %mul3A_180 = vector.broadcast %broadcast_in_dim3A_179 : vector<128x1x128xf32> to vector<128x32x128xf32>
    %mul3A_181 = arith.mulf %get3A_155, %mul3A_180 : vector<128x32x128xf32>
    %slice3A_182 = vector.extract_strided_slice %mul3A_181 {offsets = [0, 0, 0], sizes = [128, 32, 64], strides = [1, 1, 1]} : vector<128x32x128xf32> to vector<128x32x64xf32>
    %reduce_sum3A_183 = arith.constant dense<0.000000e+00> : vector<128x32xf32>
    %reduce_sum3A_184 = vector.multi_reduction <add>, %slice3A_182, %reduce_sum3A_183 [2] : vector<128x32x64xf32> to vector<128x32xf32>
    %slice3A_185 = vector.extract_strided_slice %mul3A_181 {offsets = [0, 0, 64], sizes = [128, 32, 64], strides = [1, 1, 1]} : vector<128x32x128xf32> to vector<128x32x64xf32>
    %reduce_sum3A_186 = arith.constant dense<0.000000e+00> : vector<128x32xf32>
    %reduce_sum3A_187 = vector.multi_reduction <add>, %slice3A_185, %reduce_sum3A_186 [2] : vector<128x32x64xf32> to vector<128x32xf32>
    %stack3A_188 = vector.shape_cast %reduce_sum3A_184 : vector<128x32xf32> to vector<128x32x1xf32>
    %stack3A_189 = vector.shape_cast %reduce_sum3A_187 : vector<128x32xf32> to vector<128x32x1xf32>
    %stack3A_190 = tpu.concatenate %stack3A_188, %stack3A_189 in 2 : vector<128x32x1xf32>, vector<128x32x1xf32> -> vector<128x32x2xf32>
    %reshape3A_191 = vector.shape_cast %stack3A_190 : vector<128x32x2xf32> to vector<128x64xf32>
    %broadcast_in_dim3A_192 = vector.shape_cast %add3A_115 : vector<128x128xf32> to vector<128x1x128xf32>
    %mul3A_193 = vector.broadcast %broadcast_in_dim3A_192 : vector<128x1x128xf32> to vector<128x32x128xf32>
    %mul3A_194 = arith.mulf %get3A_155, %mul3A_193 : vector<128x32x128xf32>
    %slice3A_195 = vector.extract_strided_slice %mul3A_194 {offsets = [0, 0, 0], sizes = [128, 32, 64], strides = [1, 1, 1]} : vector<128x32x128xf32> to vector<128x32x64xf32>
    %reduce_sum3A_196 = arith.constant dense<0.000000e+00> : vector<128x32xf32>
    %reduce_sum3A_197 = vector.multi_reduction <add>, %slice3A_195, %reduce_sum3A_196 [2] : vector<128x32x64xf32> to vector<128x32xf32>
    %slice3A_198 = vector.extract_strided_slice %mul3A_194 {offsets = [0, 0, 64], sizes = [128, 32, 64], strides = [1, 1, 1]} : vector<128x32x128xf32> to vector<128x32x64xf32>
    %reduce_sum3A_199 = arith.constant dense<0.000000e+00> : vector<128x32xf32>
    %reduce_sum3A_200 = vector.multi_reduction <add>, %slice3A_198, %reduce_sum3A_199 [2] : vector<128x32x64xf32> to vector<128x32xf32>
    %stack3A_201 = vector.shape_cast %reduce_sum3A_197 : vector<128x32xf32> to vector<128x32x1xf32>
    %stack3A_202 = vector.shape_cast %reduce_sum3A_200 : vector<128x32xf32> to vector<128x32x1xf32>
    %stack3A_203 = tpu.concatenate %stack3A_201, %stack3A_202 in 2 : vector<128x32x1xf32>, vector<128x32x1xf32> -> vector<128x32x2xf32>
    %reshape3A_204 = vector.shape_cast %stack3A_203 : vector<128x32x2xf32> to vector<128x64xf32>
    %swap3A = arith.constant 0 : index
    %swap3A_205 = arith.constant 0 : index
    %swap3A_206 = vector.load %arg11[%swap3A, %swap3A_205] : memref<128x64xf32, #tpu.memory_space<vmem>>, vector<128x64xf32>
    tpu.vector_store %arg11[%swap3A, %swap3A_205], %reshape3A {strides = array<i32>} : memref<128x64xf32, #tpu.memory_space<vmem>>, vector<128x64xf32>,
    %swap3A_207 = arith.constant 0 : index
    %swap3A_208 = arith.constant 0 : index
    %swap3A_209 = vector.load %arg12[%swap3A_207, %swap3A_208] : memref<128x64xf32, #tpu.memory_space<vmem>>, vector<128x64xf32>
    tpu.vector_store %arg12[%swap3A_207, %swap3A_208], %reshape3A_178 {strides = array<i32>} : memref<128x64xf32, #tpu.memory_space<vmem>>, vector<128x64xf32>,
    %swap3A_210 = arith.constant 0 : index
    %swap3A_211 = arith.constant 0 : index
    %swap3A_212 = vector.load %arg13[%swap3A_210, %swap3A_211] : memref<128x64xf32, #tpu.memory_space<vmem>>, vector<128x64xf32>
    tpu.vector_store %arg13[%swap3A_210, %swap3A_211], %reshape3A_191 {strides = array<i32>} : memref<128x64xf32, #tpu.memory_space<vmem>>, vector<128x64xf32>,
    %swap3A_213 = arith.constant 0 : index
    %swap3A_214 = arith.constant 0 : index
    %swap3A_215 = vector.load %arg14[%swap3A_213, %swap3A_214] : memref<128x64xf32, #tpu.memory_space<vmem>>, vector<128x64xf32>
    tpu.vector_store %arg14[%swap3A_213, %swap3A_214], %reshape3A_204 {strides = array<i32>} : memref<128x64xf32, #tpu.memory_space<vmem>>, vector<128x64xf32>,
    %add3A_216 = arith.addf %reshape3A, %add3A_131 : vector<128x64xf32>
    %sub3A_217 = arith.subf %add3A_216, %reshape3A_178 : vector<128x64xf32>
    %abs3A = math.absf %sub3A_217 : vector<128x64xf32>
    %reduce_sum3A_218 = arith.constant dense<0.000000e+00> : vector<128xf32>
    %reduce_sum3A_219 = vector.multi_reduction <add>, %abs3A, %reduce_sum3A_218 [1] : vector<128x64xf32> to vector<128xf32>
    %swap3A_220 = arith.constant 0 : index
    %swap3A_221 = vector.load %arg15[%swap3A_220] : memref<128xf32, #tpu.memory_space<vmem>>, vector<128xf32>
    tpu.vector_store %arg15[%swap3A_220], %reduce_sum3A_219 {strides = array<i32>} : memref<128xf32, #tpu.memory_space<vmem>>, vector<128xf32>,
    %add3A_222 = arith.addf %reshape3A_191, %add3A_147 : vector<128x64xf32>
    %sub3A_223 = arith.subf %add3A_222, %reshape3A_204 : vector<128x64xf32>
    %abs3A_224 = math.absf %sub3A_223 : vector<128x64xf32>
    %reduce_sum3A_225 = arith.constant dense<0.000000e+00> : vector<128xf32>
    %reduce_sum3A_226 = vector.multi_reduction <add>, %abs3A_224, %reduce_sum3A_225 [1] : vector<128x64xf32> to vector<128xf32>
    %swap3A_227 = arith.constant 0 : index
    %swap3A_228 = vector.load %arg16[%swap3A_227] : memref<128xf32, #tpu.memory_space<vmem>>, vector<128xf32>
    tpu.vector_store %arg16[%swap3A_227], %reduce_sum3A_226 {strides = array<i32>} : memref<128xf32, #tpu.memory_space<vmem>>, vector<128xf32>,
    return
  }
  func.func @transform_0(%arg0: i32, %arg1: memref<4096xi32, #tpu.memory_space<smem>>, %arg2: memref<4096xi32, #tpu.memory_space<smem>>) -> (i32, i32, i32) {
    %c0_i32 = arith.constant 0 : i32
    %c0_i32_0 = arith.constant 0 : i32
    %c0_i32_1 = arith.constant 0 : i32
    %c0_i32_2 = arith.constant 0 : i32
    return %c0_i32, %c0_i32_0, %c0_i32_1 : i32, i32, i32
  }
  func.func @transform_1(%arg0: i32, %arg1: memref<4096xi32, #tpu.memory_space<smem>>, %arg2: memref<4096xi32, #tpu.memory_space<smem>>) -> (i32, i32) {
    %add3A = arith.constant 0 : i32
    %add3A_0 = arith.addi %add3A, %arg0 : i32
    %c0_i32 = arith.constant 0 : i32
    %c0_i32_1 = arith.constant 0 : i32
    return %add3A_0, %c0_i32 : i32, i32
  }
  func.func @transform_2(%arg0: i32, %arg1: memref<4096xi32, #tpu.memory_space<smem>>, %arg2: memref<4096xi32, #tpu.memory_space<smem>>) -> (i32, i32) {
    %add3A = arith.constant 32 : i32
    %add3A_0 = arith.addi %add3A, %arg0 : i32
    %c0_i32 = arith.constant 0 : i32
    %c0_i32_1 = arith.constant 0 : i32
    return %add3A_0, %c0_i32 : i32, i32
  }
  func.func @transform_3(%arg0: i32, %arg1: memref<4096xi32, #tpu.memory_space<smem>>, %arg2: memref<4096xi32, #tpu.memory_space<smem>>) -> (i32, i32) {
    %add3A = arith.constant 64 : i32
    %add3A_0 = arith.addi %add3A, %arg0 : i32
    %c0_i32 = arith.constant 0 : i32
    %c0_i32_1 = arith.constant 0 : i32
    return %add3A_0, %c0_i32 : i32, i32
  }
  func.func @transform_4(%arg0: i32, %arg1: memref<4096xi32, #tpu.memory_space<smem>>, %arg2: memref<4096xi32, #tpu.memory_space<smem>>) -> (i32, i32) {
    %add3A = arith.constant 96 : i32
    %add3A_0 = arith.addi %add3A, %arg0 : i32
    %c0_i32 = arith.constant 0 : i32
    %c0_i32_1 = arith.constant 0 : i32
    return %add3A_0, %c0_i32 : i32, i32
  }
  func.func @transform_5(%arg0: i32, %arg1: memref<4096xi32, #tpu.memory_space<smem>>, %arg2: memref<4096xi32, #tpu.memory_space<smem>>) -> (i32, i32) {
    %add3A = arith.constant 0 : i32
    %add3A_0 = arith.addi %add3A, %arg0 : i32
    %c0_i32 = arith.constant 0 : i32
    %c0_i32_1 = arith.constant 0 : i32
    return %add3A_0, %c0_i32 : i32, i32
  }
  func.func @transform_6(%arg0: i32, %arg1: memref<4096xi32, #tpu.memory_space<smem>>, %arg2: memref<4096xi32, #tpu.memory_space<smem>>) -> (i32, i32) {
    %add3A = arith.constant 32 : i32
    %add3A_0 = arith.addi %add3A, %arg0 : i32
    %c0_i32 = arith.constant 0 : i32
    %c0_i32_1 = arith.constant 0 : i32
    return %add3A_0, %c0_i32 : i32, i32
  }
  func.func @transform_7(%arg0: i32, %arg1: memref<4096xi32, #tpu.memory_space<smem>>, %arg2: memref<4096xi32, #tpu.memory_space<smem>>) -> (i32, i32, i32) {
    %c0_i32 = arith.constant 0 : i32
    %c0_i32_0 = arith.constant 0 : i32
    %c0_i32_1 = arith.constant 0 : i32
    return %arg0, %c0_i32, %c0_i32_0 : i32, i32, i32
  }
  func.func @transform_8(%arg0: i32, %arg1: memref<4096xi32, #tpu.memory_space<smem>>, %arg2: memref<4096xi32, #tpu.memory_space<smem>>) -> (i32, i32) {
    %c0_i32 = arith.constant 0 : i32
    %c0_i32_0 = arith.constant 0 : i32
    return %arg0, %c0_i32 : i32, i32
  }
  func.func @transform_9(%arg0: i32, %arg1: memref<4096xi32, #tpu.memory_space<smem>>, %arg2: memref<4096xi32, #tpu.memory_space<smem>>) -> (i32, i32) {
    %c0_i32 = arith.constant 0 : i32
    %c0_i32_0 = arith.constant 0 : i32
    return %arg0, %c0_i32 : i32, i32
  }
  func.func @transform_10(%arg0: i32, %arg1: memref<4096xi32, #tpu.memory_space<smem>>, %arg2: memref<4096xi32, #tpu.memory_space<smem>>) -> (i32, i32) {
    %c0_i32 = arith.constant 0 : i32
    %c0_i32_0 = arith.constant 0 : i32
    return %arg0, %c0_i32 : i32, i32
  }
  func.func @transform_11(%arg0: i32, %arg1: memref<4096xi32, #tpu.memory_space<smem>>, %arg2: memref<4096xi32, #tpu.memory_space<smem>>) -> (i32, i32) {
    %c0_i32 = arith.constant 0 : i32
    %c0_i32_0 = arith.constant 0 : i32
    return %arg0, %c0_i32 : i32, i32
  }
  func.func @transform_12(%arg0: i32, %arg1: memref<4096xi32, #tpu.memory_space<smem>>, %arg2: memref<4096xi32, #tpu.memory_space<smem>>) -> i32 {
    %c0_i32 = arith.constant 0 : i32
    return %arg0 : i32
  }
  func.func @transform_13(%arg0: i32, %arg1: memref<4096xi32, #tpu.memory_space<smem>>, %arg2: memref<4096xi32, #tpu.memory_space<smem>>) -> i32 {
    %c0_i32 = arith.constant 0 : i32
    return %arg0 : i32
  }
}

</mosaic_0001>

<sc_bundles>
// kernel: kernel.5.cloned.1.call-start
scs
__scs_entry_jumppad:
0x0: {  	(pc) =	sbr.rel $0x88, $3  }
0x1: {  	(tag) =	ssettag $0x0;
	lr =	simm.s32 $0x1  }
0x2: {  	[smem:$0x3F98] =	sst lr;
	_ =	strace $0xD0000000  }
0x3: {  	_ = 	snop  }
0x4: {  	_ = 	snop  }
0x5: {  	_ = 	snop  }
0x6: {  	_ = 	snop  }
0x7: {  	_ = 	snop  }
__scs_overlays_trampoline_lowered:
0x8: {  	[smem:$0x3FA7] =	sst s0  }
0x9: {  	[smem:$0x3FA8] =	sst s1  }
0xa: {  	[smem:$0x3FA9] =	sst s2  }
0xb: {  	[smem:$0x3FAA] =	sst s3  }
0xc: {  	[smem:$0x3FAB] =	sst s4  }
0xd: {  	[smem:$0x3FAC] =	sst s5  }
0xe: {  	[smem:$0x3FAD] =	sst s6  }
0xf: {  	[smem:$0x3FAE] =	sst s7  }
0x10: {  	[smem:$0x3FAF] =	sst s8  }
0x11: {  	[smem:$0x3FB0] =	sst s9;
	s0 =	simm.s32 @!p0 $0x0  }
0x12: {  	s1 =	sld [smem:$0x3F96];
	s0 =	simm.s32 @p0 $0x1  }
0x13: {  	[smem:$0x3FB1] =	sst s0;
	s0 =	simm.s32 @!p1 $0x0  }
0x14: {  	s2 =	sld [smem:$0x3F95];
	s0 =	simm.s32 @p1 $0x1  }
0x15: {  	[smem:$0x3FB2] =	sst s0;
	s0 =	simm.s32 @!p2 $0x0  }
0x16: {  	s3 =	sld [smem:$0x3FDB];
	s0 =	simm.s32 @p2 $0x1  }
0x17: {  	s4 =	simm.s32 $0x1BF5;
	[smem:$0x3FB4] =	sst s0  }
0x18: {  	s0 =	sld [smem:$0x3F97];
	_ =	swait.ge [sflag:s4], $0x0  }
0x19: {  	s7 =	sld [smem:$0x3F98]  }
0x1a: {  	s8 =	sadd.s32 $0xFFFFE003, lr  }
0x1b: {  	s9 =	sadd.s32 $0xFFFFFEF7, lr;
	s5 =	simm.s32 $0xFFFFFFFF;
	p2 =	slt.u32 s8, $0xFFFFF086  }
0x1c: {  	p1 =	slt.u32 s9, $0xF7A;
	s5 =	simm.s32 @!p2 $0x0  }
0x1d: {  	s5 =	simm.s32 @p1 $0x1;
	p0 =	seq.s32 s7, s2  }
0x1e: {  	s7 =	smul.u32 @!p0 $0xF7A, s2;
	p2 =	seq.s32 @!p0 s5, $0x0  }
0x1f: {  	s9 =	smul.u32 $0xF7A, s1;
	s8 =	simm.s32 @!p0 $0x1BF5;
	p2 =	por !p2, p0  }
0x20: {  	[sflag:s8] =	ssyncset.s32 @!p0 $0xFFFFF086;
	s6 =	sadd.s32 @!p0 s3, s7;
	s7 =	simm.s32 @!p0 $0x108  }
0x21: {  	s3 =	sadd.s32 s3, s9;
	s6 =	sadd.s32 @!p0 $0x88, s6;
	s7 =	simm.s32 @p2 $0x1082  }
0x22: {  	[simem:s7], [sflag:s8] =	dma.local @!p0 [hbm:s6], $0xF7A  }
0x23: {  	s9 =	sor.u32 $0xD0000000, s2;
	s6 =	simm.s32 $0x108;
	_ =	swait.ge @!p0 [sflag:s8], $0x0  }
0x24: {  	s3 =	sadd.s32 $0x88, s3;
	s6 =	simm.s32 @!p1 $0x1082;
	[sflag:s4] =	ssyncset.s32 $0xFFFFF086  }
0x25: {  	[simem:s6], [sflag:s4] =	dma.local [hbm:s3], $0xF7A  }
0x26: {  	[smem:$0x3F98] =	sst s1;
	(tag) =	ssettag s2;
	_ =	strace s9  }
0x27: {  	s1 =	sld [smem:$0x3FA8]  }
0x28: {  	s2 =	sld [smem:$0x3FA9]  }
0x29: {  	s4 =	sld [smem:$0x3FAB]  }
0x2a: {  	p0 =	seq.s32 s5, $0x0;
	s5 =	sld [smem:$0x3FAC]  }
0x2b: {  	s6 =	sld [smem:$0x3FAD]  }
0x2c: {  	s7 =	sld [smem:$0x3FAE]  }
0x2d: {  	s3 =	simm.s32 $0x108;
	s8 =	sld [smem:$0x3FAF]  }
0x2e: {  	s3 =	simm.s32 @!p0 $0x1082;
	s9 =	sld [smem:$0x3FB0]  }
0x2f: {  	lr =	sadd.s32 s0, s3;
	s0 =	sld [smem:$0x3FA7]  }
0x30: {  	s3 =	sld [smem:$0x3FAA]  }
0x31: {  	[smem:$0x3FB3] =	sst s10  }
0x32: {  	s10 =	sld [smem:$0x3FB1];
	_ =	sdelay $0x3  }
0x33: {  	p0 =	seq.s32 s10, $0x1;
	s10 =	sld [smem:$0x3FB3];
	_ =	sdelay $0x3  }
0x34: {  	[smem:$0x3FB3] =	sst s10  }
0x35: {  	s10 =	sld [smem:$0x3FB2];
	_ =	sdelay $0x3  }
0x36: {  	p1 =	seq.s32 s10, $0x1;
	s10 =	sld [smem:$0x3FB3];
	_ =	sdelay $0x3  }
0x37: {  	[smem:$0x3FB3] =	sst s10  }
0x38: {  	s10 =	sld [smem:$0x3FB4]  }
0x39: {  	_ = 	snop;
	(pc) =	sbr.ind lr, $3  }
0x3a: {  	_ = 	snop  }
0x3b: {  	_ = 	snop  }
0x3c: {  	p2 =	seq.s32 s10, $0x1;
	s10 =	sld [smem:$0x3FB3]  }
0x3d: {  	_ =	shalt  }
0x3e: {  	_ =	shalt  }
0x3f: {  	_ =	shalt  }
0x40: {  	_ =	shalt  }
0x41: {  	_ =	shalt  }
0x42: {  	_ =	shalt  }
0x43: {  	_ =	shalt  }
0x44: {  	_ =	shalt  }
0x45: {  	_ =	shalt  }
0x46: {  	_ =	shalt  }
0x47: {  	_ =	shalt  }
0x48: {  	_ =	shalt  }
0x49: {  	_ =	shalt  }
0x4a: {  	_ =	shalt  }
0x4b: {  	_ =	shalt  }
0x4c: {  	_ =	shalt  }
0x4d: {  	_ =	shalt  }
0x4e: {  	_ =	shalt  }
0x4f: {  	_ =	shalt  }
0x50: {  	_ =	shalt  }
0x51: {  	_ =	shalt  }
0x52: {  	_ =	shalt  }
0x53: {  	_ =	shalt  }
0x54: {  	_ =	shalt  }
0x55: {  	_ =	shalt  }
0x56: {  	_ =	shalt  }
0x57: {  	_ =	shalt  }
0x58: {  	_ =	shalt  }
0x59: {  	_ =	shalt  }
0x5a: {  	_ =	shalt  }
0x5b: {  	_ =	shalt  }
0x5c: {  	_ =	shalt  }
0x5d: {  	_ =	shalt  }
0x5e: {  	_ =	shalt  }
0x5f: {  	_ =	shalt  }
0x60: {  	_ =	shalt  }
0x61: {  	_ =	shalt  }
0x62: {  	_ =	shalt  }
0x63: {  	_ =	shalt  }
0x64: {  	_ =	shalt  }
0x65: {  	_ =	shalt  }
0x66: {  	_ =	shalt  }
0x67: {  	_ =	shalt  }
0x68: {  	_ =	shalt  }
0x69: {  	_ =	shalt  }
0x6a: {  	_ =	shalt  }
0x6b: {  	_ =	shalt  }
0x6c: {  	_ =	shalt  }
0x6d: {  	_ =	shalt  }
0x6e: {  	_ =	shalt  }
0x6f: {  	_ =	shalt  }
0x70: {  	_ =	shalt  }
0x71: {  	_ =	shalt  }
0x72: {  	_ =	shalt  }
0x73: {  	_ =	shalt  }
0x74: {  	_ =	shalt  }
0x75: {  	_ =	shalt  }
0x76: {  	_ =	shalt  }
0x77: {  	_ =	shalt  }
0x78: {  	_ =	shalt  }
0x79: {  	_ =	shalt  }
0x7a: {  	_ =	shalt  }
0x7b: {  	_ =	shalt  }
0x7c: {  	_ =	shalt  }
0x7d: {  	_ =	shalt  }
0x7e: {  	_ =	shalt  }
0x7f: {  	_ =	shalt  }
0x80: {  	_ =	shalt  }
0x81: {  	_ =	shalt  }
0x82: {  	_ =	shalt  }
0x83: {  	_ =	shalt  }
0x84: {  	_ =	shalt  }
0x85: {  	_ =	shalt  }
0x86: {  	_ =	shalt  }
0x87: {  	_ =	shalt  }
.Lfunc_end0:
.L_simem_size_0:
called_computation_lowered:
.L_overlay_start_0:
0x88: {  	s2 =	sld [smem:$0x3FD9]  }
0x89: {  	s3 =	sld [smem:$0x3FFE];
	_ =	sdelay $0x1  }
0x8a: {  	s1 =	srdreg.scid  }
0x8b: {  	s0 =	sand.u32 $0x1, s1  }
0x8c: {  	s14 =	sshll.u32 s0, $0xA;
	s2 =	sadd.s32 s3, s2  }
0x8d: {  	s2 =	sadd.s32 s2, s14  }
0x8e: {  	[smem:$0x3FBF] =	sst s2  }
0x8f: {  	_ = 	snop  }
0x90: {  	s2 =	sld [smem:$0x3FD0];
	_ =	sdelay $0x2  }
0x91: {  	s15 =	simm.s32 $0xB;
	s4 =	simm.s32 $0x10  }
0x92: {  	[smem:s4], [sflag:s15] =	dma.local [hbm:s2], $0x1  }
0x93: {  	_ =	swait.eq [sflag:s15], $0x1  }
0x94: {  	[sflag:s15] =	ssyncset.done $0x0  }
0x95: {  	[sflag:s15] =	ssyncadd.s32 $0xFFFFFFFF  }
0x96: {  	s16 =	sld [smem:$0x14];
	(tm) =	ssettm $0x1  }
0x97: {  	s17 =	sld [smem:$0x3FFB];
	_ =	sdelay $0x3  }
0x98: {  	_ =	strace s17  }
0x99: {  	s3 =	sld [smem:$0x3FFC];
	_ =	sdelay $0x3  }
0x9a: {  	_ =	strace s3  }
0x9b: {  	s3 =	sld [smem:$0x3FFD];
	_ =	sdelay $0x3  }
0x9c: {  	_ =	strace s3  }
0x9d: {  	_ =	strace $0x8FFFFFFF  }
0x9e: {  	s18 =	sld [smem:$0x3FDB];
	_ =	sdelay $0x1  }
0x9f: {  	s19 =	simm.s32 $_scs_section_size  }
0xa0: {  	s5 =	simm.s32 $_size__tile_overlayer_lowered;
	s6 =	simm.s32 $_tile_overlayer_lowered  }
0xa1: {  	s22 =	simm.s32 $0x1BFF;
	s21 =	sshll.u32 s6, $0x1;
	s3 =	sadd.s32 s19, s18  }
0xa2: {  	s7 =	simm.s32 $0x0;
	s20 =	sshll.u32 s5, $0x1;
	s5 =	sadd.s32 s21, s3  }
0xa3: {  	[timem:s7], [sflag:s22] =	dma.local [hbm:s5], s20  }
0xa4: {  	_ =	swait.ge [sflag:s22], s20  }
0xa5: {  	s4 =	ssub.s32 $0x0, s20;
	[sflag:s22] =	ssyncset.done $0x0  }
0xa6: {  	[sflag:s22] =	ssyncadd.s32 s4;
	_ =	sdelay $0x1  }
0xa7: {  	s23 =	simm.s32 $0x1B8B  }
0xa8: {  	_ =	swait.ge [sflag:s23], $0x1  }
0xa9: {  	[sflag:s23] =	ssyncset.done $0x0  }
0xaa: {  	s25 =	simm.s32 $0x1B8E;
	s24 =	sld [smem:$0x3FFE];
	[sflag:s23] =	ssyncadd.s32 $0xFFFFFFFF  }
0xab: {  	s26 =	simm.s32 $execute0_lowered;
	[smem:$0x3FD2] =	sst s25  }
0xac: {  	s5 =	sshll.u32 s26, $0x1;
	_ =	strace $0x80000046;
	[dreg:$0x1] =	wrdreg $0xFFFFFFFF  }
0xad: {  	s28 =	simm.s32 $_size_execute0_lowered;
	s3 =	sadd.s32 s3, s5;
	[dreg:$0x0] =	wrdreg $0x0  }
0xae: {  	s5 =	sshll.u32 s28, $0x1;
	[dreg:$0x2] =	wrdreg s3  }
0xaf: {  	[dreg:$0x3] =	wrdreg s5  }
0xb0: {  	[dreg:$0x4] =	wrdreg $0xC0  }
0xb1: {  	_ =	task [dreg:s7], $0x5FFFF  }
0xb2: {  	[dreg:$0x1] =	wrdreg $0xFFFFFFFF  }
0xb3: {  	[dreg:$0x0] =	wrdreg $0x60  }
0xb4: {  	[dreg:$0x2] =	wrdreg s24  }
0xb5: {  	[dreg:$0x3] =	wrdreg s16  }
0xb6: {  	[dreg:$0x4] =	wrdreg $0x9  }
0xb7: {  	_ =	task.clear_ibuf [dreg:s7], $0x5FFFF;
	_ =	strace $0x90000046  }
0xb8: {  	s29 =	simm.s32 $0x9;
	_ =	strace $0x80000048  }
0xb9: {  	_ =	swait.ge [sflag:s29], $0x1  }
0xba: {  	[sflag:s29] =	ssyncadd.s32 $0xFFFFFFFF  }
0xbb: {  	_ =	strace $0x90000048  }
0xbc: {  	_ =	sfence  }
0xbd: {  	s30 =	sld [smem:$0x0];
	_ =	sdelay $0x2  }
0xbe: {  	s31 =	sshll.u32 s1, $0xD;
	s1 =	sshrl.u32 s1, $0x2  }
0xbf: {  	s3 =	sand.u32 $0x4000, s31;
	s1 =	sadd.s32 s1, s30  }
0xc0: {  	s0 =	sor.u32 s3, s0;
	s1 =	sshll.u32 s1, $0x11  }
0xc1: {  	s0 =	sor.u32 s1, s0  }
0xc2: {  	s0 =	sadd.s32 $0x8F2B, s0  }
0xc3: {  	[sflag:s0] =	ssyncadd.remote.s32 $0x1  }
0xc4: {  	_ =	sfence.sel $0xFFFF  }
0xc5: {  	[dreg:$0x0] =	wrdreg $0xFFFFFFFF;
	(pc) =	sbr.abs _section_cstart, $3  }
0xc6: {  	[dreg:$0x1] =	wrdreg $0xFFFFFFFF  }
0xc7: {  	_ =	task.clear_ibuf [dreg:s7], $0x2FFFF;
	_ =	strace $0x9FFFFFFF  }
0xc8: {  	(tm) =	ssettm $0x7FFFFFFF  }
0xc9: {  	_ =	shalt  }
tec
execute0_lowered:
.L_overlay_start_1:
0x0: {  	(tag) =	ssettag $0x1  }
0x1: {  	s1 =	srdreg.scid  }
0x2: {  	s8 =	rddreg [dreg:$0x0];
	s0 =	stileid.u32  }
0x3: {  	s3 =	rddreg [dreg:$0x1];
	s2 =	simm.s32 $0x0;
	s6 =	sand.u32 $0x1, s1  }
0x4: {  	s4 =	sshll.u32 s0, $0xA;
	s1 =	rddreg [dreg:$0x2];
	s5 =	sshll.u32 s6, $0x9  }
0x5: {  	s7 =	simm.s32 $0x1;
	[smem:$0x7FF] =	sst s2;
	s9 =	sor.u32 s5, s4  }
0x6: {  	_ =	strace $0x80000047;
	s10 =	ssub.s32 $0x2, s6;
	s4 =	sshrl.u32 s9, $0x3  }
0x7: {  	s6 =	simm.s32 $0x200;
	s4 =	sadd.s32 s3, s4;
	s3 =	simm.s32 $0x2  }
0x8: {  	[tilespmem:s2], [sflag:$0x2] =	stream.linear.gather [hbm4b:s4+s2], $0x200, $0x38;
	[tilespmem:$0x10200] =	vst v63  }
0x9: {  	s5 =	sadd.s32 $0xF44A00, s8;
	s11 =	sshrl.u32 s10, $0x1;
	_ =	swait.ge [sflag:s3], $0x200  }
0xa: {  	s9 =	sshll.u32 s9, $0x4;
	s31 =	ssub.s32 s10, s11;
	[sflag:s3] =	ssyncset.done $0x0  }
0xb: {  	s8 =	sadd.s32 s9, s8;
	s9 =	smax.u32 s31, $0x1;
	[sflag:s3] =	ssyncadd.s32 $0xFFFFFE00  }
0xc: {  	[tilespmem:s6], [sflag:$0x1] =	stream.indirect.gather [hbm4b:s5+s6], $0x80, s2, s6, $0xb8;
	[tilespmem:$0x10200] =	vst v63  }
0xd: {  	p0 =	sne.s32 s9, $0x1;
	_ =	swait.ge [sflag:s7], $0x10000  }
.Ltmp0:
0xe: {  	[sflag:s7] =	ssyncset.done $0x0;
	(pc) =	sbr.rel @!p0 .LBB2_2-.Ltmp0, $4  }
0xf: {  	s8 =	sadd.s32 $0x2600, s8;
	[sflag:s7] =	ssyncadd.s32 $0xFFFF0000  }
0x10: {  	[hbm4b:s8+s2] =	stream.linear.scatter [tilespmem:s6], [sflag:$0x2], $0x10000, $0x38;
	[tilespmem:$0x10200] =	vst v63  }
0x11: {  	_ =	swait.ge [sflag:s3], $0x10000  }
0x12: {  	s9 =	sadd.s32 $0xFFFFFFFF, s9;
	[sflag:s3] =	ssyncset.done $0x0  }
.LBB2_1:
0x13: {  	p0 =	sne.s32 s9, $0x1;
	s9 =	sadd.s32 $0xFFFFFFFF, s9;
	[sflag:s3] =	ssyncadd.s32 $0xFFFF0000  }
0x14: {  	[tilespmem:s2], [sflag:$0x2] =	stream.linear.gather [hbm4b:s4+s2], $0x200, $0x38;
	[tilespmem:$0x10200] =	vst v63  }
0x15: {  	_ =	swait.ge [sflag:s3], $0x200  }
0x16: {  	[sflag:s3] =	ssyncset.done $0x0  }
0x17: {  	[sflag:s3] =	ssyncadd.s32 $0xFFFFFE00  }
0x18: {  	[tilespmem:s6], [sflag:$0x1] =	stream.indirect.gather [hbm4b:s5+s6], $0x80, s2, s6, $0xb8;
	[tilespmem:$0x10200] =	vst v63  }
0x19: {  	_ =	swait.ge [sflag:s7], $0x10000  }
.Ltmp1:
0x1a: {  	[sflag:s7] =	ssyncset.done $0x0;
	(pc) =	sbr.rel @p0 .LBB2_1-.Ltmp1, $4  }
0x1b: {  	[sflag:s7] =	ssyncadd.s32 $0xFFFF0000  }
0x1c: {  	[hbm4b:s8+s2] =	stream.linear.scatter [tilespmem:s6], [sflag:$0x2], $0x10000, $0x38;
	[tilespmem:$0x10200] =	vst v63  }
0x1d: {  	_ =	swait.ge [sflag:s3], $0x10000  }
0x1e: {  	[sflag:s3] =	ssyncset.done $0x0  }
.LBB2_2:
0x1f: {  	[sflag:s3] =	ssyncadd.s32 $0xFFFF0000  }
0x20: {  	_ =	sfence.sel $0x180000  }
0x21: {  	[bflag:$0x0] =	sbarrier.arrive $0xFFFF  }
0x22: {  	p0 =	sne.s32 s0, $0x0;
	_ =	strace $0x90000047  }
0x23: {  	s0 =	sadd.s32 @!p0 $0x100000, s1;
	[bflag:$0x2] =	sbarrier.arrive $0xFFFF  }
0x24: {  	[sflag:s0] =	ssyncadd.tile.s32 @!p0 $0x1;
	_ =	shalt  }
.Lfunc_end2:
_tile_overlayer_lowered:
.L_overlay_start_2:
0x25: {  	(tag) =	ssettag $0x2  }
0x26: {  	s0 =	rddreg [dreg:$0x0];
	s2 =	stileid.u32  }
0x27: {  	s1 =	rddreg [dreg:$0x1];
	p0 =	sne.s32 s2, $0x0  }
0x28: {  	s3 =	rddreg [dreg:$0x2];
	[bflag:$0x3] =	sbarrier.arrive $0xFFFF;
	s2 =	simm.s32 @!p0 $0x1C02  }
0x29: {  	[timem:s3], [sflag:s2] =	dma.local @!p0 [hbm:s0], s1  }
0x2a: {  	s0 =	simm.s32 @!p0 $0x2  }
0x2b: {  	_ =	swait.ge @!p0 [sflag:s0], s1  }
0x2c: {  	s1 =	ssub.s32 @!p0 $0x0, s1;
	[sflag:s0] =	ssyncset.done @!p0 $0x0  }
0x2d: {  	[sflag:s0] =	ssyncadd.s32 @!p0 s1  }
0x2e: {  	[bflag:$0x3] =	sbarrier.arrive $0xFFFF  }
0x2f: {  	_ =	shalt  }

// kernel: kernel.8.cloned.1.call-start
scs
__scs_entry_jumppad:
0x0: {  	(pc) =	sbr.rel $0x88, $3  }
0x1: {  	(tag) =	ssettag $0x0;
	lr =	simm.s32 $0x1  }
0x2: {  	[smem:$0x3F98] =	sst lr;
	_ =	strace $0xD0000000  }
0x3: {  	_ = 	snop  }
0x4: {  	_ = 	snop  }
0x5: {  	_ = 	snop  }
0x6: {  	_ = 	snop  }
0x7: {  	_ = 	snop  }
__scs_overlays_trampoline_lowered:
0x8: {  	[smem:$0x3FA7] =	sst s0  }
0x9: {  	[smem:$0x3FA8] =	sst s1  }
0xa: {  	[smem:$0x3FA9] =	sst s2  }
0xb: {  	[smem:$0x3FAA] =	sst s3  }
0xc: {  	[smem:$0x3FAB] =	sst s4  }
0xd: {  	[smem:$0x3FAC] =	sst s5  }
0xe: {  	[smem:$0x3FAD] =	sst s6  }
0xf: {  	[smem:$0x3FAE] =	sst s7  }
0x10: {  	[smem:$0x3FAF] =	sst s8  }
0x11: {  	[smem:$0x3FB0] =	sst s9;
	s0 =	simm.s32 @!p0 $0x0  }
0x12: {  	s1 =	sld [smem:$0x3F96];
	s0 =	simm.s32 @p0 $0x1  }
0x13: {  	[smem:$0x3FB1] =	sst s0;
	s0 =	simm.s32 @!p1 $0x0  }
0x14: {  	s2 =	sld [smem:$0x3F95];
	s0 =	simm.s32 @p1 $0x1  }
0x15: {  	[smem:$0x3FB2] =	sst s0;
	s0 =	simm.s32 @!p2 $0x0  }
0x16: {  	s3 =	sld [smem:$0x3FDB];
	s0 =	simm.s32 @p2 $0x1  }
0x17: {  	s4 =	simm.s32 $0x1BF5;
	[smem:$0x3FB4] =	sst s0  }
0x18: {  	s0 =	sld [smem:$0x3F97];
	_ =	swait.ge [sflag:s4], $0x0  }
0x19: {  	s7 =	sld [smem:$0x3F98]  }
0x1a: {  	s8 =	sadd.s32 $0xFFFFE003, lr  }
0x1b: {  	s9 =	sadd.s32 $0xFFFFFEF7, lr;
	s5 =	simm.s32 $0xFFFFFFFF;
	p2 =	slt.u32 s8, $0xFFFFF086  }
0x1c: {  	p1 =	slt.u32 s9, $0xF7A;
	s5 =	simm.s32 @!p2 $0x0  }
0x1d: {  	s5 =	simm.s32 @p1 $0x1;
	p0 =	seq.s32 s7, s2  }
0x1e: {  	s7 =	smul.u32 @!p0 $0xF7A, s2;
	p2 =	seq.s32 @!p0 s5, $0x0  }
0x1f: {  	s9 =	smul.u32 $0xF7A, s1;
	s8 =	simm.s32 @!p0 $0x1BF5;
	p2 =	por !p2, p0  }
0x20: {  	[sflag:s8] =	ssyncset.s32 @!p0 $0xFFFFF086;
	s6 =	sadd.s32 @!p0 s3, s7;
	s7 =	simm.s32 @!p0 $0x108  }
0x21: {  	s3 =	sadd.s32 s3, s9;
	s6 =	sadd.s32 @!p0 $0x88, s6;
	s7 =	simm.s32 @p2 $0x1082  }
0x22: {  	[simem:s7], [sflag:s8] =	dma.local @!p0 [hbm:s6], $0xF7A  }
0x23: {  	s9 =	sor.u32 $0xD0000000, s2;
	s6 =	simm.s32 $0x108;
	_ =	swait.ge @!p0 [sflag:s8], $0x0  }
0x24: {  	s3 =	sadd.s32 $0x88, s3;
	s6 =	simm.s32 @!p1 $0x1082;
	[sflag:s4] =	ssyncset.s32 $0xFFFFF086  }
0x25: {  	[simem:s6], [sflag:s4] =	dma.local [hbm:s3], $0xF7A  }
0x26: {  	[smem:$0x3F98] =	sst s1;
	(tag) =	ssettag s2;
	_ =	strace s9  }
0x27: {  	s1 =	sld [smem:$0x3FA8]  }
0x28: {  	s2 =	sld [smem:$0x3FA9]  }
0x29: {  	s4 =	sld [smem:$0x3FAB]  }
0x2a: {  	p0 =	seq.s32 s5, $0x0;
	s5 =	sld [smem:$0x3FAC]  }
0x2b: {  	s6 =	sld [smem:$0x3FAD]  }
0x2c: {  	s7 =	sld [smem:$0x3FAE]  }
0x2d: {  	s3 =	simm.s32 $0x108;
	s8 =	sld [smem:$0x3FAF]  }
0x2e: {  	s3 =	simm.s32 @!p0 $0x1082;
	s9 =	sld [smem:$0x3FB0]  }
0x2f: {  	lr =	sadd.s32 s0, s3;
	s0 =	sld [smem:$0x3FA7]  }
0x30: {  	s3 =	sld [smem:$0x3FAA]  }
0x31: {  	[smem:$0x3FB3] =	sst s10  }
0x32: {  	s10 =	sld [smem:$0x3FB1];
	_ =	sdelay $0x3  }
0x33: {  	p0 =	seq.s32 s10, $0x1;
	s10 =	sld [smem:$0x3FB3];
	_ =	sdelay $0x3  }
0x34: {  	[smem:$0x3FB3] =	sst s10  }
0x35: {  	s10 =	sld [smem:$0x3FB2];
	_ =	sdelay $0x3  }
0x36: {  	p1 =	seq.s32 s10, $0x1;
	s10 =	sld [smem:$0x3FB3];
	_ =	sdelay $0x3  }
0x37: {  	[smem:$0x3FB3] =	sst s10  }
0x38: {  	s10 =	sld [smem:$0x3FB4]  }
0x39: {  	_ = 	snop;
	(pc) =	sbr.ind lr, $3  }
0x3a: {  	_ = 	snop  }
0x3b: {  	_ = 	snop  }
0x3c: {  	p2 =	seq.s32 s10, $0x1;
	s10 =	sld [smem:$0x3FB3]  }
0x3d: {  	_ =	shalt  }
0x3e: {  	_ =	shalt  }
0x3f: {  	_ =	shalt  }
0x40: {  	_ =	shalt  }
0x41: {  	_ =	shalt  }
0x42: {  	_ =	shalt  }
0x43: {  	_ =	shalt  }
0x44: {  	_ =	shalt  }
0x45: {  	_ =	shalt  }
0x46: {  	_ =	shalt  }
0x47: {  	_ =	shalt  }
0x48: {  	_ =	shalt  }
0x49: {  	_ =	shalt  }
0x4a: {  	_ =	shalt  }
0x4b: {  	_ =	shalt  }
0x4c: {  	_ =	shalt  }
0x4d: {  	_ =	shalt  }
0x4e: {  	_ =	shalt  }
0x4f: {  	_ =	shalt  }
0x50: {  	_ =	shalt  }
0x51: {  	_ =	shalt  }
0x52: {  	_ =	shalt  }
0x53: {  	_ =	shalt  }
0x54: {  	_ =	shalt  }
0x55: {  	_ =	shalt  }
0x56: {  	_ =	shalt  }
0x57: {  	_ =	shalt  }
0x58: {  	_ =	shalt  }
0x59: {  	_ =	shalt  }
0x5a: {  	_ =	shalt  }
0x5b: {  	_ =	shalt  }
0x5c: {  	_ =	shalt  }
0x5d: {  	_ =	shalt  }
0x5e: {  	_ =	shalt  }
0x5f: {  	_ =	shalt  }
0x60: {  	_ =	shalt  }
0x61: {  	_ =	shalt  }
0x62: {  	_ =	shalt  }
0x63: {  	_ =	shalt  }
0x64: {  	_ =	shalt  }
0x65: {  	_ =	shalt  }
0x66: {  	_ =	shalt  }
0x67: {  	_ =	shalt  }
0x68: {  	_ =	shalt  }
0x69: {  	_ =	shalt  }
0x6a: {  	_ =	shalt  }
0x6b: {  	_ =	shalt  }
0x6c: {  	_ =	shalt  }
0x6d: {  	_ =	shalt  }
0x6e: {  	_ =	shalt  }
0x6f: {  	_ =	shalt  }
0x70: {  	_ =	shalt  }
0x71: {  	_ =	shalt  }
0x72: {  	_ =	shalt  }
0x73: {  	_ =	shalt  }
0x74: {  	_ =	shalt  }
0x75: {  	_ =	shalt  }
0x76: {  	_ =	shalt  }
0x77: {  	_ =	shalt  }
0x78: {  	_ =	shalt  }
0x79: {  	_ =	shalt  }
0x7a: {  	_ =	shalt  }
0x7b: {  	_ =	shalt  }
0x7c: {  	_ =	shalt  }
0x7d: {  	_ =	shalt  }
0x7e: {  	_ =	shalt  }
0x7f: {  	_ =	shalt  }
0x80: {  	_ =	shalt  }
0x81: {  	_ =	shalt  }
0x82: {  	_ =	shalt  }
0x83: {  	_ =	shalt  }
0x84: {  	_ =	shalt  }
0x85: {  	_ =	shalt  }
0x86: {  	_ =	shalt  }
0x87: {  	_ =	shalt  }
.Lfunc_end0:
.L_simem_size_0:
called_computation.1_lowered:
.L_overlay_start_0:
0x88: {  	s2 =	sld [smem:$0x3FD9]  }
0x89: {  	s3 =	sld [smem:$0x3FFE];
	_ =	sdelay $0x1  }
0x8a: {  	s1 =	srdreg.scid  }
0x8b: {  	s0 =	sand.u32 $0x1, s1  }
0x8c: {  	s15 =	sshll.u32 s0, $0xA;
	s2 =	sadd.s32 s3, s2  }
0x8d: {  	s2 =	sadd.s32 s2, s15  }
0x8e: {  	[smem:$0x3FBF] =	sst s2  }
0x8f: {  	_ = 	snop  }
0x90: {  	s2 =	sld [smem:$0x3FD0];
	_ =	sdelay $0x2  }
0x91: {  	s4 =	simm.s32 $0xB;
	s16 =	simm.s32 $0x10  }
0x92: {  	[smem:s16], [sflag:s4] =	dma.local [hbm:s2], $0x1  }
0x93: {  	_ =	swait.eq [sflag:s4], $0x1  }
0x94: {  	[sflag:s4] =	ssyncset.done $0x0  }
0x95: {  	s17 =	sld [smem:$0x13];
	[sflag:s4] =	ssyncadd.s32 $0xFFFFFFFF  }
0x96: {  	s18 =	sld [smem:$0x15];
	(tm) =	ssettm $0x1  }
0x97: {  	s19 =	sld [smem:$0x3FFB];
	_ =	sdelay $0x3  }
0x98: {  	_ =	strace s19  }
0x99: {  	s2 =	sld [smem:$0x3FFC];
	_ =	sdelay $0x3  }
0x9a: {  	_ =	strace s2  }
0x9b: {  	s2 =	sld [smem:$0x3FFD];
	_ =	sdelay $0x3  }
0x9c: {  	_ =	strace s2  }
0x9d: {  	_ =	strace $0x8FFFFFFF  }
0x9e: {  	s20 =	sld [smem:$0x3FDB];
	_ =	sdelay $0x1  }
0x9f: {  	s5 =	simm.s32 $_scs_section_size  }
0xa0: {  	s6 =	simm.s32 $_size__tile_overlayer_lowered;
	s7 =	simm.s32 $_tile_overlayer_lowered  }
0xa1: {  	s8 =	simm.s32 $0x1BFF;
	s21 =	sshll.u32 s7, $0x1;
	s5 =	sadd.s32 s5, s20  }
0xa2: {  	s22 =	simm.s32 $0x0;
	s6 =	sshll.u32 s6, $0x1;
	s7 =	sadd.s32 s21, s5  }
0xa3: {  	[timem:s22], [sflag:s8] =	dma.local [hbm:s7], s6  }
0xa4: {  	_ =	swait.ge [sflag:s8], s6  }
0xa5: {  	s6 =	ssub.s32 $0x0, s6;
	[sflag:s8] =	ssyncset.done $0x0  }
0xa6: {  	[sflag:s8] =	ssyncadd.s32 s6;
	_ =	sdelay $0x1  }
0xa7: {  	s23 =	simm.s32 $0x1B8B  }
0xa8: {  	_ =	swait.ge [sflag:s23], $0x1  }
0xa9: {  	[sflag:s23] =	ssyncset.done $0x0  }
0xaa: {  	[sflag:s23] =	ssyncadd.s32 $0xFFFFFFFF  }
0xab: {  	s6 =	sld [smem:$0x0]  }
0xac: {  	s7 =	sand.u32 $0xFFFFFFFE, s1  }
0xad: {  	p0 =	sne.s32 s1, s7  }
0xae: {  	s7 =	sshll.u32 @p0 s7, $0xE  }
0xaf: {  	s7 =	sadd.s32 @p0 $0x11B8D, s7;
	s8 =	sshll.u32 @p0 s6, $0x11  }
0xb0: {  	s7 =	sor.u32 @p0 s8, s7  }
0xb1: {  	[sflag:s7] =	ssyncadd.remote.s32 @p0 $0x1;
	_ =	sdelay $0x1  }
0xb2: {  	s7 =	simm.s32 @p0 $0x1B8D  }
0xb3: {  	_ =	swait.eq @p0 [sflag:s7], $0x1  }
0xb4: {  	[sflag:s7] =	ssyncadd.s32 @p0 $0xFFFFFFFF  }
0xb5: {  	s8 =	sshll.u32 @!p0 s1, $0xE  }
0xb6: {  	s8 =	sor.u32 @!p0 $0x4000, s8;
	s7 =	simm.s32 @!p0 $0x1B8D  }
0xb7: {  	s6 =	sshll.u32 @!p0 s6, $0x11;
	s8 =	sadd.s32 @!p0 $0x11B8D, s8;
	_ =	swait.eq @!p0 [sflag:s7], $0x1  }
0xb8: {  	s6 =	sor.u32 @!p0 s6, s8;
	[sflag:s7] =	ssyncadd.s32 @!p0 $0xFFFFFFFF  }
0xb9: {  	s25 =	simm.s32 $0x1B8E;
	s24 =	sld [smem:$0x3FFE];
	[sflag:s6] =	ssyncadd.remote.s32 @!p0 $0x1  }
0xba: {  	s26 =	simm.s32 $execute0_lowered;
	[smem:$0x3FD2] =	sst s25  }
0xbb: {  	s7 =	sshll.u32 s26, $0x1;
	_ =	strace $0x80000049;
	[dreg:$0x1] =	wrdreg $0xFFFFFFFF  }
0xbc: {  	s28 =	simm.s32 $_size_execute0_lowered;
	s5 =	sadd.s32 s5, s7;
	[dreg:$0x0] =	wrdreg $0x0  }
0xbd: {  	s7 =	sshll.u32 s28, $0x1;
	[dreg:$0x2] =	wrdreg s5  }
0xbe: {  	[dreg:$0x3] =	wrdreg s7  }
0xbf: {  	[dreg:$0x4] =	wrdreg $0xC0  }
0xc0: {  	_ =	task [dreg:s22], $0x5FFFF  }
0xc1: {  	[dreg:$0x1] =	wrdreg $0xFFFFFFFF  }
0xc2: {  	[dreg:$0x0] =	wrdreg $0x60  }
0xc3: {  	[dreg:$0x2] =	wrdreg s18  }
0xc4: {  	[dreg:$0x3] =	wrdreg s17  }
0xc5: {  	[dreg:$0x4] =	wrdreg s24  }
0xc6: {  	[dreg:$0x5] =	wrdreg $0xA  }
0xc7: {  	_ =	task.clear_ibuf [dreg:s22], $0x6FFFF;
	_ =	strace $0x90000049  }
0xc8: {  	s29 =	simm.s32 $0xA;
	_ =	strace $0x8000004B  }
0xc9: {  	_ =	swait.ge [sflag:s29], $0x1  }
0xca: {  	[sflag:s29] =	ssyncadd.s32 $0xFFFFFFFF  }
0xcb: {  	_ =	strace $0x9000004B  }
0xcc: {  	_ =	sfence  }
0xcd: {  	s30 =	sld [smem:$0x0];
	_ =	sdelay $0x2  }
0xce: {  	s31 =	sshll.u32 s1, $0xD;
	s1 =	sshrl.u32 s1, $0x2  }
0xcf: {  	s4 =	sand.u32 $0x4000, s31;
	s1 =	sadd.s32 s1, s30  }
0xd0: {  	s0 =	sor.u32 s4, s0;
	s1 =	sshll.u32 s1, $0x11  }
0xd1: {  	s0 =	sor.u32 s1, s0  }
0xd2: {  	s0 =	sadd.s32 $0x8F2B, s0  }
0xd3: {  	[sflag:s0] =	ssyncadd.remote.s32 $0x1  }
0xd4: {  	_ =	sfence.sel $0xFFFF  }
0xd5: {  	[dreg:$0x0] =	wrdreg $0xFFFFFFFF;
	(pc) =	sbr.abs _section_cstart, $3  }
0xd6: {  	[dreg:$0x1] =	wrdreg $0xFFFFFFFF  }
0xd7: {  	_ =	task.clear_ibuf [dreg:s22], $0x2FFFF;
	_ =	strace $0x9FFFFFFF  }
0xd8: {  	(tm) =	ssettm $0x7FFFFFFF  }
0xd9: {  	_ =	shalt  }
tec
execute0_lowered:
.L_overlay_start_1:
0x0: {  	(tag) =	ssettag $0x1  }
0x1: {  	s1 =	rddreg [dreg:$0x0];
	s2 =	srdreg.scid  }
0x2: {  	s4 =	rddreg [dreg:$0x1];
	s0 =	stileid.u32  }
0x3: {  	s8 =	rddreg [dreg:$0x2];
	s3 =	simm.s32 $0x0;
	s6 =	sand.u32 $0x1, s2  }
0x4: {  	s5 =	sshll.u32 s0, $0x9;
	s2 =	rddreg [dreg:$0x3];
	s7 =	sshll.u32 s6, $0x8  }
0x5: {  	[smem:$0x7FF] =	sst s3;
	s9 =	sor.u32 s7, s5  }
0x6: {  	_ =	strace $0x8000004A;
	s10 =	ssub.s32 $0x2, s6;
	s5 =	sshrl.u32 s9, $0x3  }
0x7: {  	s6 =	simm.s32 $0x100;
	s5 =	sadd.s32 s4, s5;
	s4 =	simm.s32 $0x2  }
0x8: {  	[tilespmem:s3], [sflag:$0x2] =	stream.linear.gather [hbm4b:s5+s3], $0x100, $0x38;
	[tilespmem:$0x8100] =	vst v63  }
0x9: {  	s7 =	simm.s32 $0x1;
	s11 =	sshrl.u32 s10, $0x1;
	_ =	swait.ge [sflag:s4], $0x100  }
0xa: {  	s9 =	sshll.u32 s9, $0x4;
	s31 =	ssub.s32 s10, s11;
	[sflag:s4] =	ssyncset.done $0x0  }
0xb: {  	s8 =	sadd.s32 s9, s8;
	s9 =	smax.u32 s31, $0x1;
	[sflag:s4] =	ssyncadd.s32 $0xFFFFFF00  }
0xc: {  	[tilespmem:s6], [sflag:$0x1] =	stream.indirect.gather [hbm4b:s1+s6], $0x80, s3, s6, $0xb8;
	[tilespmem:$0x8100] =	vst v63  }
0xd: {  	p0 =	sne.s32 s9, $0x1;
	_ =	swait.ge [sflag:s7], $0x8000  }
.Ltmp0:
0xe: {  	[sflag:s7] =	ssyncset.done $0x0;
	(pc) =	sbr.rel @!p0 .LBB2_2-.Ltmp0, $4  }
0xf: {  	s8 =	sadd.s32 $0x42600, s8;
	[sflag:s7] =	ssyncadd.s32 $0xFFFF8000  }
0x10: {  	[hbm4b:s8+s3] =	stream.linear.scatter [tilespmem:s6], [sflag:$0x2], $0x8000, $0x38;
	[tilespmem:$0x8100] =	vst v63  }
0x11: {  	_ =	swait.ge [sflag:s4], $0x8000  }
0x12: {  	s9 =	sadd.s32 $0xFFFFFFFF, s9;
	[sflag:s4] =	ssyncset.done $0x0  }
.LBB2_1:
0x13: {  	p0 =	sne.s32 s9, $0x1;
	s9 =	sadd.s32 $0xFFFFFFFF, s9;
	[sflag:s4] =	ssyncadd.s32 $0xFFFF8000  }
0x14: {  	[tilespmem:s3], [sflag:$0x2] =	stream.linear.gather [hbm4b:s5+s3], $0x100, $0x38;
	[tilespmem:$0x8100] =	vst v63  }
0x15: {  	_ =	swait.ge [sflag:s4], $0x100  }
0x16: {  	[sflag:s4] =	ssyncset.done $0x0  }
0x17: {  	[sflag:s4] =	ssyncadd.s32 $0xFFFFFF00  }
0x18: {  	[tilespmem:s6], [sflag:$0x1] =	stream.indirect.gather [hbm4b:s1+s6], $0x80, s3, s6, $0xb8;
	[tilespmem:$0x8100] =	vst v63  }
0x19: {  	_ =	swait.ge [sflag:s7], $0x8000  }
.Ltmp1:
0x1a: {  	[sflag:s7] =	ssyncset.done $0x0;
	(pc) =	sbr.rel @p0 .LBB2_1-.Ltmp1, $4  }
0x1b: {  	[sflag:s7] =	ssyncadd.s32 $0xFFFF8000  }
0x1c: {  	[hbm4b:s8+s3] =	stream.linear.scatter [tilespmem:s6], [sflag:$0x2], $0x8000, $0x38;
	[tilespmem:$0x8100] =	vst v63  }
0x1d: {  	_ =	swait.ge [sflag:s4], $0x8000  }
0x1e: {  	[sflag:s4] =	ssyncset.done $0x0  }
.LBB2_2:
0x1f: {  	[sflag:s4] =	ssyncadd.s32 $0xFFFF8000  }
0x20: {  	_ =	sfence.sel $0x180000  }
0x21: {  	[bflag:$0x0] =	sbarrier.arrive $0xFFFF  }
0x22: {  	p0 =	sne.s32 s0, $0x0;
	_ =	strace $0x9000004A  }
0x23: {  	s0 =	sadd.s32 @!p0 $0x100000, s2;
	[bflag:$0x2] =	sbarrier.arrive $0xFFFF  }
0x24: {  	[sflag:s0] =	ssyncadd.tile.s32 @!p0 $0x1;
	_ =	shalt  }
.Lfunc_end2:
_tile_overlayer_lowered:
.L_overlay_start_2:
0x25: {  	(tag) =	ssettag $0x2  }
0x26: {  	s0 =	rddreg [dreg:$0x0];
	s2 =	stileid.u32  }
0x27: {  	s1 =	rddreg [dreg:$0x1];
	p0 =	sne.s32 s2, $0x0  }
0x28: {  	s3 =	rddreg [dreg:$0x2];
	[bflag:$0x3] =	sbarrier.arrive $0xFFFF;
	s2 =	simm.s32 @!p0 $0x1C02  }
0x29: {  	[timem:s3], [sflag:s2] =	dma.local @!p0 [hbm:s0], s1  }
0x2a: {  	s0 =	simm.s32 @!p0 $0x2  }
0x2b: {  	_ =	swait.ge @!p0 [sflag:s0], s1  }
0x2c: {  	s1 =	ssub.s32 @!p0 $0x0, s1;
	[sflag:s0] =	ssyncset.done @!p0 $0x0  }
0x2d: {  	[sflag:s0] =	ssyncadd.s32 @!p0 s1  }
0x2e: {  	[bflag:$0x3] =	sbarrier.arrive $0xFFFF  }
0x2f: {  	_ =	shalt  }

</sc_bundles>
